<compile_context>
chip_gen: v7x
topology: tpu7x:2x2x1
jax: 0.10.2.dev20260603
libtpu: 0.0.44.dev20260713+nightly
codegen_flags: <defaults>
</compile_context>

<pallas_src>
import functools

import jax
import jax.numpy as jnp
from jax import lax
from jax.experimental import pallas as pl
from jax.experimental.pallas import tpu as pltpu
from jax.experimental.pallas import tpu_sc as plsc

B = 16384
F = 26
V = 100000
D = 16
DIN = 13
H = 64
DEEP = 64

TOT = B * F
NW = 32
CHUNK = 256
CPW = TOT // (NW * CHUNK)


def _sc_gather(cat_c, tab_w):
    mesh = plsc.VectorSubcoreMesh(core_axis_name="c", subcore_axis_name="s")

    @functools.partial(
        pl.kernel,
        mesh=mesh,
        compiler_params=pltpu.CompilerParams(use_tc_tiling_on_sc=False),
        out_type=jax.ShapeDtypeStruct((TOT * D,), jnp.float32),
        scratch_types=[
            pltpu.VMEM((CPW, CHUNK), jnp.int32),
            pltpu.VMEM((CHUNK * D // 128, 128), jnp.int32),
            pltpu.VMEM((CHUNK * D // 128, 128), jnp.int32),
            pltpu.VMEM((CHUNK * D,), jnp.float32),
            pltpu.VMEM((CHUNK * D,), jnp.float32),
            pltpu.SemaphoreType.DMA,
            pltpu.SemaphoreType.DMA,
        ],
    )
    def k(cat_hbm, tab_hbm, out_hbm, idx_v, ga, gb, oa, ob, ma, mb):
        wid = lax.axis_index("s") * 2 + lax.axis_index("c")
        cbase = wid * CPW
        wbase = wid * CPW * CHUNK * D

        pltpu.sync_copy(cat_hbm.at[pl.ds(cbase, CPW)], idx_v)

        lane = lax.iota(jnp.int32, 16)
        dword = lane * V

        def build(r, gbuf):
            e0 = (cbase + r) * CHUNK

            def group(q, _):
                vv = idx_v[r, pl.ds(q * 16, 16)]
                fv = lax.rem(e0 + q * 16 + lane, F)
                base = fv * (D * V) + vv
                for il in range(16):
                    b = jnp.take(base, jnp.full((16,), il, jnp.int32))
                    gbuf[2 * q + il // 8, pl.ds((il % 8) * 16, 16)] = b + dword
                return 0

            lax.fori_loop(0, CHUNK // 16, group, 0)

        def fire(gbuf, obuf, sem):
            def go(j, _):
                pltpu.make_async_copy(
                    tab_hbm.at[gbuf.at[j]],
                    obuf.at[pl.ds(j * 128, 128)],
                    sem,
                ).start()
                return 0

            lax.fori_loop(0, CHUNK * D // 128, go, 0)

        def drain(gbuf, obuf, sem):
            def go(j, _):
                pltpu.make_async_copy(
                    tab_hbm.at[gbuf.at[j]],
                    obuf.at[pl.ds(j * 128, 128)],
                    sem,
                ).wait()
                return 0

            lax.fori_loop(0, CHUNK * D // 128, go, 0)

        def write(r, obuf):
            pltpu.sync_copy(
                obuf, out_hbm.at[pl.ds(wbase + r * CHUNK * D, CHUNK * D)])

        build(0, ga)
        fire(ga, oa, ma)
        NP = CPW // 2

        def pair(p, _):
            r0 = 2 * p

            build(r0 + 1, gb)
            fire(gb, ob, mb)
            drain(ga, oa, ma)
            write(r0, oa)

            @pl.when(p + 1 < NP)
            def _():
                build(r0 + 2, ga)
                fire(ga, oa, ma)

            drain(gb, ob, mb)
            write(r0 + 1, ob)
            return 0

        lax.fori_loop(0, NP, pair, 0)

    return k(cat_c, tab_w)


def _tc_dense(cf, emb2, W1, b1, W2, b2, Wd_de, Wd_emb, bd, Wl_de, Wl_dp, wl_fm, bl):
    BLK = 2048
    grid = (B // BLK,)

    def body(cf_ref, emb_ref, w1_ref, b1_ref, w2_ref, b2_ref, wde_ref,
             wdem_ref, bd_ref, wl1_ref, wl2_ref, wlf_ref, bl_ref, out_ref):
        cf_blk = cf_ref[...]
        h = jnp.maximum(
            jnp.dot(cf_blk, w1_ref[...], preferred_element_type=jnp.float32)
            + b1_ref[...], 0.0)
        de = jnp.maximum(
            jnp.dot(h, w2_ref[...], preferred_element_type=jnp.float32)
            + b2_ref[...], 0.0)
        emb = emb_ref[...]
        deep = jnp.maximum(
            jnp.dot(de, wde_ref[...], preferred_element_type=jnp.float32)
            + jnp.dot(emb, wdem_ref[...], preferred_element_type=jnp.float32)
            + bd_ref[...], 0.0)
        s1 = (jnp.sum(de, axis=1, keepdims=True)
              + jnp.sum(emb, axis=1, keepdims=True))
        s2 = (jnp.sum(de * de, axis=1, keepdims=True)
              + jnp.sum(emb * emb, axis=1, keepdims=True))
        fm = 0.5 * (s1 * s1 - s2)
        out_ref[...] = (
            jnp.dot(de, wl1_ref[...], preferred_element_type=jnp.float32)
            + jnp.dot(deep, wl2_ref[...], preferred_element_type=jnp.float32)
            + fm * wlf_ref[...] + bl_ref[...])

    full = lambda shape: pl.BlockSpec(shape, lambda i: (0,) * len(shape))
    return pl.pallas_call(
        body,
        grid=grid,
        in_specs=[
            pl.BlockSpec((BLK, DIN), lambda i: (i, 0)),
            pl.BlockSpec((BLK, F * D), lambda i: (i, 0)),
            full((DIN, H)),
            full((1, H)),
            full((H, D)),
            full((1, D)),
            full((D, DEEP)),
            full((F * D, DEEP)),
            full((1, DEEP)),
            full((D, 1)),
            full((DEEP, 1)),
            full((1, 1)),
            full((1, 1)),
        ],
        out_specs=pl.BlockSpec((BLK, 1), lambda i: (i, 0)),
        out_shape=jax.ShapeDtypeStruct((B, 1), jnp.float32),
    )(cf, emb2, W1, b1, W2, b2, Wd_de, Wd_emb, bd, Wl_de, Wl_dp, wl_fm, bl)


def kernel(count_features, category_features, tables, W1, b1, W2, b2, Wd, bd, Wl, bl):
    cat_c = category_features.astype(jnp.int32).reshape(TOT // CHUNK, CHUNK)
    tab_w = tables.transpose(0, 2, 1).reshape(F * D * V)
    emb_flat = _sc_gather(cat_c, tab_w)
    emb2 = emb_flat.reshape(B, F * D)
    logits = _tc_dense(
        count_features, emb2, W1, b1.reshape(1, H), W2, b2.reshape(1, D),
        Wd[:D], Wd[D:], bd.reshape(1, DEEP),
        Wl[:D], Wl[D:D + DEEP], Wl[D + DEEP:].reshape(1, 1), bl.reshape(1, 1))
    return logits

# --- scband reference (transcript-rebuilt; emitter-appended) ---
"""Pipeline reference for scband-deep-fm-35416300323240 (READ-ONLY COPY).

The authoritative reference and input builder live on the scoring server;
editing this copy changes nothing except your own understanding.
"""

import jax, jax.numpy as jnp
import numpy as np

B = 16384
F = 26
V = 100000
D = 16
DIN = 13
H = 64
DEEP = 64


def setup_inputs(seed: int = 0) -> dict:
    key = jax.random.key(seed)
    ks = jax.random.split(key, 11)
    return {
        "count_features": jax.random.normal(ks[0], (B, DIN), dtype=jnp.float32),
        "category_features": jax.random.randint(ks[1], (B, F), 0, V, dtype=jnp.int64) if jax.config.jax_enable_x64 else jax.random.randint(ks[1], (B, F), 0, V, dtype=jnp.int32),
        "tables": jax.random.normal(ks[2], (F, V, D), dtype=jnp.float32) * 0.01,
        "W1": jax.random.normal(ks[3], (DIN, H), dtype=jnp.float32) * 0.1,
        "b1": jnp.zeros((H,), dtype=jnp.float32),
        "W2": jax.random.normal(ks[4], (H, D), dtype=jnp.float32) * 0.1,
        "b2": jnp.zeros((D,), dtype=jnp.float32),
        "Wd": jax.random.normal(ks[5], ((1 + F) * D, DEEP), dtype=jnp.float32) * 0.05,
        "bd": jnp.zeros((DEEP,), dtype=jnp.float32),
        "Wl": jax.random.normal(ks[6], (D + DEEP + 1, 1), dtype=jnp.float32) * 0.1,
        "bl": jnp.zeros((1,), dtype=jnp.float32),
    }


def reference(count_features, category_features, tables, W1, b1, W2, b2, Wd, bd, Wl, bl):
    # DenseEmbedding: Linear -> ReLU -> Linear -> ReLU
    dense_embedded = jax.nn.relu(jnp.dot(jax.nn.relu(jnp.dot(count_features, W1) + b1), W2) + b2)
    # SparseEmbedding: per-field EmbeddingBag(mode='mean') with 1 index per bag == plain gather
    embs = [jnp.take(tables[i], category_features[:, i], axis=0) for i in range(F)]
    # _get_flatten_input: concat along feature dim
    inputs = jnp.concatenate([dense_embedded] + embs, axis=1)
    # DeepLayer: Linear -> ReLU
    deep_outputs = jax.nn.relu(jnp.dot(inputs, Wd) + bd)
    # FactorizedMachineLayer
    sum_of_inputs = jnp.sum(inputs, axis=1, keepdims=True)
    sum_of_square = jnp.sum(inputs * inputs, axis=1, keepdims=True)
    square_of_sum = sum_of_inputs * sum_of_inputs
    cross_term = square_of_sum - sum_of_square
    fm_outputs = jnp.sum(cross_term, axis=1, keepdims=True) * 0.5
    # LogitsLayer
    logits_in = jnp.concatenate([dense_embedded, deep_outputs, fm_outputs], axis=1)
    logits = jnp.dot(logits_in, Wl) + bl
    return logits

if __name__ == "__main__":
    import jax
    _d = setup_inputs()
    print(jax.jit(kernel)(*tuple(_d.values())))

</pallas_src>

<mosaic_0001>
#map = affine_map<(d0, d1) -> (0, 0)>
#map1 = affine_map<(d0, d1) -> (0)>
module attributes {stable_mosaic.version = 14 : i64} {
  func.func @k(%arg0: i32, %arg1: i32, %arg2: memref<1664x256xi32, #tpu.memory_space<hbm>>, %arg3: memref<41600000xf32, #tpu.memory_space<hbm>>, %arg4: memref<6815744xf32, #tpu.memory_space<hbm>>, %arg5: memref<52x256xi32, #tpu.memory_space<vmem>>, %arg6: memref<32x128xi32, #tpu.memory_space<vmem>>, %arg7: memref<32x128xi32, #tpu.memory_space<vmem>>, %arg8: memref<4096xf32, #tpu.memory_space<vmem>>, %arg9: memref<4096xf32, #tpu.memory_space<vmem>>, %arg10: memref<!tpu.dma_semaphore, #tpu.memory_space<semaphore_mem>>, %arg11: memref<!tpu.dma_semaphore, #tpu.memory_space<semaphore_mem>>) attributes {dimension_semantics = [#tpu.dimension_semantics<core_parallel>, #tpu.dimension_semantics<subcore_parallel>], iteration_bounds = array<i64: 2, 16>, scalar_prefetch = 0 : i64, scratch_operands = 7 : i64, tpu.core_type = #tpu.core_type<sc_vector_subcore>, window_params = [{transform_indices = #map}, {transform_indices = #map1}, {transform_indices = #map1}]} {
    %mul3A = arith.constant 2 : i32
    %mul3A_0 = arith.muli %arg1, %mul3A : i32
    %add3A = arith.addi %mul3A_0, %arg0 : i32
    %mul3A_1 = arith.constant 52 : i32
    %mul3A_2 = arith.muli %add3A, %mul3A_1 : i32
    %mul3A_3 = arith.constant 52 : i32
    %mul3A_4 = arith.muli %add3A, %mul3A_3 : i32
    %mul3A_5 = arith.constant 256 : i32
    %mul3A_6 = arith.muli %mul3A_4, %mul3A_5 : i32
    %mul3A_7 = arith.constant 16 : i32
    %mul3A_8 = arith.muli %mul3A_6, %mul3A_7 : i32
    "tpu.region"() ({
      %run_scoped3A = tpu.sem_alloc : memref<!tpu.dma_semaphore, #tpu.memory_space<semaphore_mem>>
      %dma_start3A = arith.constant 0 : i32
      %dma_start3A_36 = tpu.memref_slice %arg2[%mul3A_2, %dma_start3A] : memref<1664x256xi32, #tpu.memory_space<hbm>> -> memref<52x256xi32, #tpu.memory_space<hbm>>
      %dma_start3A_37 = arith.constant 0 : i32
      %dma_start3A_38 = tpu.memref_slice %arg2[%mul3A_2, %dma_start3A_37] : memref<1664x256xi32, #tpu.memory_space<hbm>> -> memref<52x256xi32, #tpu.memory_space<hbm>>
      tpu.enqueue_dma source(%dma_start3A_38 : memref<52x256xi32, #tpu.memory_space<hbm>>) target(%arg5 : memref<52x256xi32, #tpu.memory_space<vmem>>) target_semaphore(%run_scoped3A : memref<!tpu.dma_semaphore, #tpu.memory_space<semaphore_mem>>)
      %dma_wait3A = arith.constant 0 : i32
      %dma_wait3A_39 = tpu.memref_slice %arg2[%mul3A_2, %dma_wait3A] : memref<1664x256xi32, #tpu.memory_space<hbm>> -> memref<52x256xi32, #tpu.memory_space<hbm>>
      %dma_wait3A_40 = arith.constant 0 : i32
      %dma_wait3A_41 = tpu.memref_slice %arg2[%mul3A_2, %dma_wait3A_40] : memref<1664x256xi32, #tpu.memory_space<hbm>> -> memref<52x256xi32, #tpu.memory_space<hbm>>
      tpu.wait_dma2 semaphore(%run_scoped3A : memref<!tpu.dma_semaphore, #tpu.memory_space<semaphore_mem>>) src(%dma_wait3A_41 : memref<52x256xi32, #tpu.memory_space<hbm>>) dst(%arg5 : memref<52x256xi32, #tpu.memory_space<vmem>>)
      tpu.yield
    }) : () -> ()
    %iota3A = tpu.iota {dimensions = array<i32: 0>} : vector<16xi32>
    %mul3A_9 = arith.constant 100000 : i32
    %mul3A_10 = vector.broadcast %mul3A_9 : i32 to vector<16xi32>
    %mul3A_11 = arith.muli %iota3A, %mul3A_10 : vector<16xi32>
    %add3A_12 = arith.constant 0 : i32
    %add3A_13 = arith.addi %mul3A_2, %add3A_12 : i32
    %mul3A_14 = arith.constant 256 : i32
    %mul3A_15 = arith.muli %add3A_13, %mul3A_14 : i32
    %scan3A = arith.constant 0 : i32
    %scan3A_16 = arith.constant 0 : i32
    %scan3A_17 = arith.constant 16 : i32
    %scan3A_18 = arith.addi %scan3A_16, %scan3A_17 : i32
    %scan3A_19 = arith.constant 1 : i32
    %scan3A_20 = scf.for %scan3A_36 = %scan3A_16 to %scan3A_18 step %scan3A_19 iter_args(%scan3A_37 = %scan3A) -> (i32)  : i32 {
      %mul3A_38 = arith.constant 16 : i32
      %mul3A_39 = arith.muli %scan3A_36, %mul3A_38 : i32
      %get3A = arith.constant 0 : i32
      %get3A_40 = arith.index_cast %get3A : i32 to index
      %get3A_41 = arith.index_cast %mul3A_39 : i32 to index
      %get3A_42 = tpu.vector_load %arg5[%get3A_40, %get3A_41] {strides = array<i32>} : memref<52x256xi32, #tpu.memory_space<vmem>>, vector<1x16xi32>,
      %get3A_43 = vector.shape_cast %get3A_42 : vector<1x16xi32> to vector<16xi32>
      %mul3A_44 = arith.constant 16 : i32
      %mul3A_45 = arith.muli %scan3A_36, %mul3A_44 : i32
      %add3A_46 = arith.addi %mul3A_15, %mul3A_45 : i32
      %add3A_47 = vector.broadcast %add3A_46 : i32 to vector<16xi32>
      %add3A_48 = arith.addi %add3A_47, %iota3A : vector<16xi32>
      %rem3A = arith.constant 26 : i32
      %rem3A_49 = vector.broadcast %rem3A : i32 to vector<16xi32>
      %rem3A_50 = arith.remsi %add3A_48, %rem3A_49 : vector<16xi32>
      %mul3A_51 = arith.constant 1600000 : i32
      %mul3A_52 = vector.broadcast %mul3A_51 : i32 to vector<16xi32>
      %mul3A_53 = arith.muli %rem3A_50, %mul3A_52 : vector<16xi32>
      %add3A_54 = arith.addi %mul3A_53, %get3A_43 : vector<16xi32>
      %broadcast_in_dim3A = arith.constant 0 : i32
      %broadcast_in_dim3A_55 = vector.broadcast %broadcast_in_dim3A : i32 to vector<16xi32>
      %lt3A = arith.constant 0 : i32
      %lt3A_56 = vector.broadcast %lt3A : i32 to vector<16xi32>
      %lt3A_57 = arith.cmpi slt, %broadcast_in_dim3A_55, %lt3A_56 : vector<16xi32>
      %add3A_58 = arith.constant 16 : i32
      %add3A_59 = vector.broadcast %add3A_58 : i32 to vector<16xi32>
      %add3A_60 = arith.addi %broadcast_in_dim3A_55, %add3A_59 : vector<16xi32>
      %select_n3A = arith.select %lt3A_57, %add3A_60, %broadcast_in_dim3A_55 : vector<16xi1>, vector<16xi32>
      %broadcast_in_dim3A_61 = vector.shape_cast %select_n3A : vector<16xi32> to vector<16x1xi32>
      %gather3A = vector.shape_cast %broadcast_in_dim3A_61 : vector<16x1xi32> to vector<16xi32>
      %gather3A_62 = tpu.dynamic_gather %add3A_54[%gather3A] in [0] : vector<16xi32>, vector<16xi32> -> vector<16xi32>
      %add3A_63 = arith.addi %gather3A_62, %mul3A_11 : vector<16xi32>
      %mul3A_64 = arith.constant 2 : i32
      %mul3A_65 = arith.muli %mul3A_64, %scan3A_36 : i32
      %add3A_66 = arith.constant 0 : i32
      %add3A_67 = arith.addi %mul3A_65, %add3A_66 : i32
      %swap3A = arith.index_cast %add3A_67 : i32 to index
      %swap3A_68 = arith.constant 0 : index
      %swap3A_69 = tpu.vector_load %arg6[%swap3A, %swap3A_68] {strides = array<i32>} : memref<32x128xi32, #tpu.memory_space<vmem>>, vector<1x16xi32>,
      %swap3A_70 = vector.shape_cast %swap3A_69 : vector<1x16xi32> to vector<16xi32>
      %swap3A_71 = vector.shape_cast %add3A_63 : vector<16xi32> to vector<1x16xi32>
      tpu.vector_store %arg6[%swap3A, %swap3A_68], %swap3A_71 {strides = array<i32>} : memref<32x128xi32, #tpu.memory_space<vmem>>, vector<1x16xi32>,
      %broadcast_in_dim3A_72 = arith.constant 1 : i32
      %broadcast_in_dim3A_73 = vector.broadcast %broadcast_in_dim3A_72 : i32 to vector<16xi32>
      %lt3A_74 = arith.constant 0 : i32
      %lt3A_75 = vector.broadcast %lt3A_74 : i32 to vector<16xi32>
      %lt3A_76 = arith.cmpi slt, %broadcast_in_dim3A_73, %lt3A_75 : vector<16xi32>
      %add3A_77 = arith.constant 16 : i32
      %add3A_78 = vector.broadcast %add3A_77 : i32 to vector<16xi32>
      %add3A_79 = arith.addi %broadcast_in_dim3A_73, %add3A_78 : vector<16xi32>
      %select_n3A_80 = arith.select %lt3A_76, %add3A_79, %broadcast_in_dim3A_73 : vector<16xi1>, vector<16xi32>
      %broadcast_in_dim3A_81 = vector.shape_cast %select_n3A_80 : vector<16xi32> to vector<16x1xi32>
      %gather3A_82 = vector.shape_cast %broadcast_in_dim3A_81 : vector<16x1xi32> to vector<16xi32>
      %gather3A_83 = tpu.dynamic_gather %add3A_54[%gather3A_82] in [0] : vector<16xi32>, vector<16xi32> -> vector<16xi32>
      %add3A_84 = arith.addi %gather3A_83, %mul3A_11 : vector<16xi32>
      %mul3A_85 = arith.constant 2 : i32
      %mul3A_86 = arith.muli %mul3A_85, %scan3A_36 : i32
      %add3A_87 = arith.constant 0 : i32
      %add3A_88 = arith.addi %mul3A_86, %add3A_87 : i32
      %swap3A_89 = arith.index_cast %add3A_88 : i32 to index
      %swap3A_90 = arith.constant 16 : index
      %swap3A_91 = tpu.vector_load %arg6[%swap3A_89, %swap3A_90] {strides = array<i32>} : memref<32x128xi32, #tpu.memory_space<vmem>>, vector<1x16xi32>,
      %swap3A_92 = vector.shape_cast %swap3A_91 : vector<1x16xi32> to vector<16xi32>
      %swap3A_93 = vector.shape_cast %add3A_84 : vector<16xi32> to vector<1x16xi32>
      tpu.vector_store %arg6[%swap3A_89, %swap3A_90], %swap3A_93 {strides = array<i32>} : memref<32x128xi32, #tpu.memory_space<vmem>>, vector<1x16xi32>,
      %broadcast_in_dim3A_94 = arith.constant 2 : i32
      %broadcast_in_dim3A_95 = vector.broadcast %broadcast_in_dim3A_94 : i32 to vector<16xi32>
      %lt3A_96 = arith.constant 0 : i32
      %lt3A_97 = vector.broadcast %lt3A_96 : i32 to vector<16xi32>
      %lt3A_98 = arith.cmpi slt, %broadcast_in_dim3A_95, %lt3A_97 : vector<16xi32>
      %add3A_99 = arith.constant 16 : i32
      %add3A_100 = vector.broadcast %add3A_99 : i32 to vector<16xi32>
      %add3A_101 = arith.addi %broadcast_in_dim3A_95, %add3A_100 : vector<16xi32>
      %select_n3A_102 = arith.select %lt3A_98, %add3A_101, %broadcast_in_dim3A_95 : vector<16xi1>, vector<16xi32>
      %broadcast_in_dim3A_103 = vector.shape_cast %select_n3A_102 : vector<16xi32> to vector<16x1xi32>
      %gather3A_104 = vector.shape_cast %broadcast_in_dim3A_103 : vector<16x1xi32> to vector<16xi32>
      %gather3A_105 = tpu.dynamic_gather %add3A_54[%gather3A_104] in [0] : vector<16xi32>, vector<16xi32> -> vector<16xi32>
      %add3A_106 = arith.addi %gather3A_105, %mul3A_11 : vector<16xi32>
      %mul3A_107 = arith.constant 2 : i32
      %mul3A_108 = arith.muli %mul3A_107, %scan3A_36 : i32
      %add3A_109 = arith.constant 0 : i32
      %add3A_110 = arith.addi %mul3A_108, %add3A_109 : i32
      %swap3A_111 = arith.index_cast %add3A_110 : i32 to index
      %swap3A_112 = arith.constant 32 : index
      %swap3A_113 = tpu.vector_load %arg6[%swap3A_111, %swap3A_112] {strides = array<i32>} : memref<32x128xi32, #tpu.memory_space<vmem>>, vector<1x16xi32>,
      %swap3A_114 = vector.shape_cast %swap3A_113 : vector<1x16xi32> to vector<16xi32>
      %swap3A_115 = vector.shape_cast %add3A_106 : vector<16xi32> to vector<1x16xi32>
      tpu.vector_store %arg6[%swap3A_111, %swap3A_112], %swap3A_115 {strides = array<i32>} : memref<32x128xi32, #tpu.memory_space<vmem>>, vector<1x16xi32>,
      %broadcast_in_dim3A_116 = arith.constant 3 : i32
      %broadcast_in_dim3A_117 = vector.broadcast %broadcast_in_dim3A_116 : i32 to vector<16xi32>
      %lt3A_118 = arith.constant 0 : i32
      %lt3A_119 = vector.broadcast %lt3A_118 : i32 to vector<16xi32>
      %lt3A_120 = arith.cmpi slt, %broadcast_in_dim3A_117, %lt3A_119 : vector<16xi32>
      %add3A_121 = arith.constant 16 : i32
      %add3A_122 = vector.broadcast %add3A_121 : i32 to vector<16xi32>
      %add3A_123 = arith.addi %broadcast_in_dim3A_117, %add3A_122 : vector<16xi32>
      %select_n3A_124 = arith.select %lt3A_120, %add3A_123, %broadcast_in_dim3A_117 : vector<16xi1>, vector<16xi32>
      %broadcast_in_dim3A_125 = vector.shape_cast %select_n3A_124 : vector<16xi32> to vector<16x1xi32>
      %gather3A_126 = vector.shape_cast %broadcast_in_dim3A_125 : vector<16x1xi32> to vector<16xi32>
      %gather3A_127 = tpu.dynamic_gather %add3A_54[%gather3A_126] in [0] : vector<16xi32>, vector<16xi32> -> vector<16xi32>
      %add3A_128 = arith.addi %gather3A_127, %mul3A_11 : vector<16xi32>
      %mul3A_129 = arith.constant 2 : i32
      %mul3A_130 = arith.muli %mul3A_129, %scan3A_36 : i32
      %add3A_131 = arith.constant 0 : i32
      %add3A_132 = arith.addi %mul3A_130, %add3A_131 : i32
      %swap3A_133 = arith.index_cast %add3A_132 : i32 to index
      %swap3A_134 = arith.constant 48 : index
      %swap3A_135 = tpu.vector_load %arg6[%swap3A_133, %swap3A_134] {strides = array<i32>} : memref<32x128xi32, #tpu.memory_space<vmem>>, vector<1x16xi32>,
      %swap3A_136 = vector.shape_cast %swap3A_135 : vector<1x16xi32> to vector<16xi32>
      %swap3A_137 = vector.shape_cast %add3A_128 : vector<16xi32> to vector<1x16xi32>
      tpu.vector_store %arg6[%swap3A_133, %swap3A_134], %swap3A_137 {strides = array<i32>} : memref<32x128xi32, #tpu.memory_space<vmem>>, vector<1x16xi32>,
      %broadcast_in_dim3A_138 = arith.constant 4 : i32
      %broadcast_in_dim3A_139 = vector.broadcast %broadcast_in_dim3A_138 : i32 to vector<16xi32>
      %lt3A_140 = arith.constant 0 : i32
      %lt3A_141 = vector.broadcast %lt3A_140 : i32 to vector<16xi32>
      %lt3A_142 = arith.cmpi slt, %broadcast_in_dim3A_139, %lt3A_141 : vector<16xi32>
      %add3A_143 = arith.constant 16 : i32
      %add3A_144 = vector.broadcast %add3A_143 : i32 to vector<16xi32>
      %add3A_145 = arith.addi %broadcast_in_dim3A_139, %add3A_144 : vector<16xi32>
      %select_n3A_146 = arith.select %lt3A_142, %add3A_145, %broadcast_in_dim3A_139 : vector<16xi1>, vector<16xi32>
      %broadcast_in_dim3A_147 = vector.shape_cast %select_n3A_146 : vector<16xi32> to vector<16x1xi32>
      %gather3A_148 = vector.shape_cast %broadcast_in_dim3A_147 : vector<16x1xi32> to vector<16xi32>
      %gather3A_149 = tpu.dynamic_gather %add3A_54[%gather3A_148] in [0] : vector<16xi32>, vector<16xi32> -> vector<16xi32>
      %add3A_150 = arith.addi %gather3A_149, %mul3A_11 : vector<16xi32>
      %mul3A_151 = arith.constant 2 : i32
      %mul3A_152 = arith.muli %mul3A_151, %scan3A_36 : i32
      %add3A_153 = arith.constant 0 : i32
      %add3A_154 = arith.addi %mul3A_152, %add3A_153 : i32
      %swap3A_155 = arith.index_cast %add3A_154 : i32 to index
      %swap3A_156 = arith.constant 64 : index
      %swap3A_157 = tpu.vector_load %arg6[%swap3A_155, %swap3A_156] {strides = array<i32>} : memref<32x128xi32, #tpu.memory_space<vmem>>, vector<1x16xi32>,
      %swap3A_158 = vector.shape_cast %swap3A_157 : vector<1x16xi32> to vector<16xi32>
      %swap3A_159 = vector.shape_cast %add3A_150 : vector<16xi32> to vector<1x16xi32>
      tpu.vector_store %arg6[%swap3A_155, %swap3A_156], %swap3A_159 {strides = array<i32>} : memref<32x128xi32, #tpu.memory_space<vmem>>, vector<1x16xi32>,
      %broadcast_in_dim3A_160 = arith.constant 5 : i32
      %broadcast_in_dim3A_161 = vector.broadcast %broadcast_in_dim3A_160 : i32 to vector<16xi32>
      %lt3A_162 = arith.constant 0 : i32
      %lt3A_163 = vector.broadcast %lt3A_162 : i32 to vector<16xi32>
      %lt3A_164 = arith.cmpi slt, %broadcast_in_dim3A_161, %lt3A_163 : vector<16xi32>
      %add3A_165 = arith.constant 16 : i32
      %add3A_166 = vector.broadcast %add3A_165 : i32 to vector<16xi32>
      %add3A_167 = arith.addi %broadcast_in_dim3A_161, %add3A_166 : vector<16xi32>
      %select_n3A_168 = arith.select %lt3A_164, %add3A_167, %broadcast_in_dim3A_161 : vector<16xi1>, vector<16xi32>
      %broadcast_in_dim3A_169 = vector.shape_cast %select_n3A_168 : vector<16xi32> to vector<16x1xi32>
      %gather3A_170 = vector.shape_cast %broadcast_in_dim3A_169 : vector<16x1xi32> to vector<16xi32>
      %gather3A_171 = tpu.dynamic_gather %add3A_54[%gather3A_170] in [0] : vector<16xi32>, vector<16xi32> -> vector<16xi32>
      %add3A_172 = arith.addi %gather3A_171, %mul3A_11 : vector<16xi32>
      %mul3A_173 = arith.constant 2 : i32
      %mul3A_174 = arith.muli %mul3A_173, %scan3A_36 : i32
      %add3A_175 = arith.constant 0 : i32
      %add3A_176 = arith.addi %mul3A_174, %add3A_175 : i32
      %swap3A_177 = arith.index_cast %add3A_176 : i32 to index
      %swap3A_178 = arith.constant 80 : index
      %swap3A_179 = tpu.vector_load %arg6[%swap3A_177, %swap3A_178] {strides = array<i32>} : memref<32x128xi32, #tpu.memory_space<vmem>>, vector<1x16xi32>,
      %swap3A_180 = vector.shape_cast %swap3A_179 : vector<1x16xi32> to vector<16xi32>
      %swap3A_181 = vector.shape_cast %add3A_172 : vector<16xi32> to vector<1x16xi32>
      tpu.vector_store %arg6[%swap3A_177, %swap3A_178], %swap3A_181 {strides = array<i32>} : memref<32x128xi32, #tpu.memory_space<vmem>>, vector<1x16xi32>,
      %broadcast_in_dim3A_182 = arith.constant 6 : i32
      %broadcast_in_dim3A_183 = vector.broadcast %broadcast_in_dim3A_182 : i32 to vector<16xi32>
      %lt3A_184 = arith.constant 0 : i32
      %lt3A_185 = vector.broadcast %lt3A_184 : i32 to vector<16xi32>
      %lt3A_186 = arith.cmpi slt, %broadcast_in_dim3A_183, %lt3A_185 : vector<16xi32>
      %add3A_187 = arith.constant 16 : i32
      %add3A_188 = vector.broadcast %add3A_187 : i32 to vector<16xi32>
      %add3A_189 = arith.addi %broadcast_in_dim3A_183, %add3A_188 : vector<16xi32>
      %select_n3A_190 = arith.select %lt3A_186, %add3A_189, %broadcast_in_dim3A_183 : vector<16xi1>, vector<16xi32>
      %broadcast_in_dim3A_191 = vector.shape_cast %select_n3A_190 : vector<16xi32> to vector<16x1xi32>
      %gather3A_192 = vector.shape_cast %broadcast_in_dim3A_191 : vector<16x1xi32> to vector<16xi32>
      %gather3A_193 = tpu.dynamic_gather %add3A_54[%gather3A_192] in [0] : vector<16xi32>, vector<16xi32> -> vector<16xi32>
      %add3A_194 = arith.addi %gather3A_193, %mul3A_11 : vector<16xi32>
      %mul3A_195 = arith.constant 2 : i32
      %mul3A_196 = arith.muli %mul3A_195, %scan3A_36 : i32
      %add3A_197 = arith.constant 0 : i32
      %add3A_198 = arith.addi %mul3A_196, %add3A_197 : i32
      %swap3A_199 = arith.index_cast %add3A_198 : i32 to index
      %swap3A_200 = arith.constant 96 : index
      %swap3A_201 = tpu.vector_load %arg6[%swap3A_199, %swap3A_200] {strides = array<i32>} : memref<32x128xi32, #tpu.memory_space<vmem>>, vector<1x16xi32>,
      %swap3A_202 = vector.shape_cast %swap3A_201 : vector<1x16xi32> to vector<16xi32>
      %swap3A_203 = vector.shape_cast %add3A_194 : vector<16xi32> to vector<1x16xi32>
      tpu.vector_store %arg6[%swap3A_199, %swap3A_200], %swap3A_203 {strides = array<i32>} : memref<32x128xi32, #tpu.memory_space<vmem>>, vector<1x16xi32>,
      %broadcast_in_dim3A_204 = arith.constant 7 : i32
      %broadcast_in_dim3A_205 = vector.broadcast %broadcast_in_dim3A_204 : i32 to vector<16xi32>
      %lt3A_206 = arith.constant 0 : i32
      %lt3A_207 = vector.broadcast %lt3A_206 : i32 to vector<16xi32>
      %lt3A_208 = arith.cmpi slt, %broadcast_in_dim3A_205, %lt3A_207 : vector<16xi32>
      %add3A_209 = arith.constant 16 : i32
      %add3A_210 = vector.broadcast %add3A_209 : i32 to vector<16xi32>
      %add3A_211 = arith.addi %broadcast_in_dim3A_205, %add3A_210 : vector<16xi32>
      %select_n3A_212 = arith.select %lt3A_208, %add3A_211, %broadcast_in_dim3A_205 : vector<16xi1>, vector<16xi32>
      %broadcast_in_dim3A_213 = vector.shape_cast %select_n3A_212 : vector<16xi32> to vector<16x1xi32>
      %gather3A_214 = vector.shape_cast %broadcast_in_dim3A_213 : vector<16x1xi32> to vector<16xi32>
      %gather3A_215 = tpu.dynamic_gather %add3A_54[%gather3A_214] in [0] : vector<16xi32>, vector<16xi32> -> vector<16xi32>
      %add3A_216 = arith.addi %gather3A_215, %mul3A_11 : vector<16xi32>
      %mul3A_217 = arith.constant 2 : i32
      %mul3A_218 = arith.muli %mul3A_217, %scan3A_36 : i32
      %add3A_219 = arith.constant 0 : i32
      %add3A_220 = arith.addi %mul3A_218, %add3A_219 : i32
      %swap3A_221 = arith.index_cast %add3A_220 : i32 to index
      %swap3A_222 = arith.constant 112 : index
      %swap3A_223 = tpu.vector_load %arg6[%swap3A_221, %swap3A_222] {strides = array<i32>} : memref<32x128xi32, #tpu.memory_space<vmem>>, vector<1x16xi32>,
      %swap3A_224 = vector.shape_cast %swap3A_223 : vector<1x16xi32> to vector<16xi32>
      %swap3A_225 = vector.shape_cast %add3A_216 : vector<16xi32> to vector<1x16xi32>
      tpu.vector_store %arg6[%swap3A_221, %swap3A_222], %swap3A_225 {strides = array<i32>} : memref<32x128xi32, #tpu.memory_space<vmem>>, vector<1x16xi32>,
      %broadcast_in_dim3A_226 = arith.constant 8 : i32
      %broadcast_in_dim3A_227 = vector.broadcast %broadcast_in_dim3A_226 : i32 to vector<16xi32>
      %lt3A_228 = arith.constant 0 : i32
      %lt3A_229 = vector.broadcast %lt3A_228 : i32 to vector<16xi32>
      %lt3A_230 = arith.cmpi slt, %broadcast_in_dim3A_227, %lt3A_229 : vector<16xi32>
      %add3A_231 = arith.constant 16 : i32
      %add3A_232 = vector.broadcast %add3A_231 : i32 to vector<16xi32>
      %add3A_233 = arith.addi %broadcast_in_dim3A_227, %add3A_232 : vector<16xi32>
      %select_n3A_234 = arith.select %lt3A_230, %add3A_233, %broadcast_in_dim3A_227 : vector<16xi1>, vector<16xi32>
      %broadcast_in_dim3A_235 = vector.shape_cast %select_n3A_234 : vector<16xi32> to vector<16x1xi32>
      %gather3A_236 = vector.shape_cast %broadcast_in_dim3A_235 : vector<16x1xi32> to vector<16xi32>
      %gather3A_237 = tpu.dynamic_gather %add3A_54[%gather3A_236] in [0] : vector<16xi32>, vector<16xi32> -> vector<16xi32>
      %add3A_238 = arith.addi %gather3A_237, %mul3A_11 : vector<16xi32>
      %mul3A_239 = arith.constant 2 : i32
      %mul3A_240 = arith.muli %mul3A_239, %scan3A_36 : i32
      %add3A_241 = arith.constant 1 : i32
      %add3A_242 = arith.addi %mul3A_240, %add3A_241 : i32
      %swap3A_243 = arith.index_cast %add3A_242 : i32 to index
      %swap3A_244 = arith.constant 0 : index
      %swap3A_245 = tpu.vector_load %arg6[%swap3A_243, %swap3A_244] {strides = array<i32>} : memref<32x128xi32, #tpu.memory_space<vmem>>, vector<1x16xi32>,
      %swap3A_246 = vector.shape_cast %swap3A_245 : vector<1x16xi32> to vector<16xi32>
      %swap3A_247 = vector.shape_cast %add3A_238 : vector<16xi32> to vector<1x16xi32>
      tpu.vector_store %arg6[%swap3A_243, %swap3A_244], %swap3A_247 {strides = array<i32>} : memref<32x128xi32, #tpu.memory_space<vmem>>, vector<1x16xi32>,
      %broadcast_in_dim3A_248 = arith.constant 9 : i32
      %broadcast_in_dim3A_249 = vector.broadcast %broadcast_in_dim3A_248 : i32 to vector<16xi32>
      %lt3A_250 = arith.constant 0 : i32
      %lt3A_251 = vector.broadcast %lt3A_250 : i32 to vector<16xi32>
      %lt3A_252 = arith.cmpi slt, %broadcast_in_dim3A_249, %lt3A_251 : vector<16xi32>
      %add3A_253 = arith.constant 16 : i32
      %add3A_254 = vector.broadcast %add3A_253 : i32 to vector<16xi32>
      %add3A_255 = arith.addi %broadcast_in_dim3A_249, %add3A_254 : vector<16xi32>
      %select_n3A_256 = arith.select %lt3A_252, %add3A_255, %broadcast_in_dim3A_249 : vector<16xi1>, vector<16xi32>
      %broadcast_in_dim3A_257 = vector.shape_cast %select_n3A_256 : vector<16xi32> to vector<16x1xi32>
      %gather3A_258 = vector.shape_cast %broadcast_in_dim3A_257 : vector<16x1xi32> to vector<16xi32>
      %gather3A_259 = tpu.dynamic_gather %add3A_54[%gather3A_258] in [0] : vector<16xi32>, vector<16xi32> -> vector<16xi32>
      %add3A_260 = arith.addi %gather3A_259, %mul3A_11 : vector<16xi32>
      %mul3A_261 = arith.constant 2 : i32
      %mul3A_262 = arith.muli %mul3A_261, %scan3A_36 : i32
      %add3A_263 = arith.constant 1 : i32
      %add3A_264 = arith.addi %mul3A_262, %add3A_263 : i32
      %swap3A_265 = arith.index_cast %add3A_264 : i32 to index
      %swap3A_266 = arith.constant 16 : index
      %swap3A_267 = tpu.vector_load %arg6[%swap3A_265, %swap3A_266] {strides = array<i32>} : memref<32x128xi32, #tpu.memory_space<vmem>>, vector<1x16xi32>,
      %swap3A_268 = vector.shape_cast %swap3A_267 : vector<1x16xi32> to vector<16xi32>
      %swap3A_269 = vector.shape_cast %add3A_260 : vector<16xi32> to vector<1x16xi32>
      tpu.vector_store %arg6[%swap3A_265, %swap3A_266], %swap3A_269 {strides = array<i32>} : memref<32x128xi32, #tpu.memory_space<vmem>>, vector<1x16xi32>,
      %broadcast_in_dim3A_270 = arith.constant 10 : i32
      %broadcast_in_dim3A_271 = vector.broadcast %broadcast_in_dim3A_270 : i32 to vector<16xi32>
      %lt3A_272 = arith.constant 0 : i32
      %lt3A_273 = vector.broadcast %lt3A_272 : i32 to vector<16xi32>
      %lt3A_274 = arith.cmpi slt, %broadcast_in_dim3A_271, %lt3A_273 : vector<16xi32>
      %add3A_275 = arith.constant 16 : i32
      %add3A_276 = vector.broadcast %add3A_275 : i32 to vector<16xi32>
      %add3A_277 = arith.addi %broadcast_in_dim3A_271, %add3A_276 : vector<16xi32>
      %select_n3A_278 = arith.select %lt3A_274, %add3A_277, %broadcast_in_dim3A_271 : vector<16xi1>, vector<16xi32>
      %broadcast_in_dim3A_279 = vector.shape_cast %select_n3A_278 : vector<16xi32> to vector<16x1xi32>
      %gather3A_280 = vector.shape_cast %broadcast_in_dim3A_279 : vector<16x1xi32> to vector<16xi32>
      %gather3A_281 = tpu.dynamic_gather %add3A_54[%gather3A_280] in [0] : vector<16xi32>, vector<16xi32> -> vector<16xi32>
      %add3A_282 = arith.addi %gather3A_281, %mul3A_11 : vector<16xi32>
      %mul3A_283 = arith.constant 2 : i32
      %mul3A_284 = arith.muli %mul3A_283, %scan3A_36 : i32
      %add3A_285 = arith.constant 1 : i32
      %add3A_286 = arith.addi %mul3A_284, %add3A_285 : i32
      %swap3A_287 = arith.index_cast %add3A_286 : i32 to index
      %swap3A_288 = arith.constant 32 : index
      %swap3A_289 = tpu.vector_load %arg6[%swap3A_287, %swap3A_288] {strides = array<i32>} : memref<32x128xi32, #tpu.memory_space<vmem>>, vector<1x16xi32>,
      %swap3A_290 = vector.shape_cast %swap3A_289 : vector<1x16xi32> to vector<16xi32>
      %swap3A_291 = vector.shape_cast %add3A_282 : vector<16xi32> to vector<1x16xi32>
      tpu.vector_store %arg6[%swap3A_287, %swap3A_288], %swap3A_291 {strides = array<i32>} : memref<32x128xi32, #tpu.memory_space<vmem>>, vector<1x16xi32>,
      %broadcast_in_dim3A_292 = arith.constant 11 : i32
      %broadcast_in_dim3A_293 = vector.broadcast %broadcast_in_dim3A_292 : i32 to vector<16xi32>
      %lt3A_294 = arith.constant 0 : i32
      %lt3A_295 = vector.broadcast %lt3A_294 : i32 to vector<16xi32>
      %lt3A_296 = arith.cmpi slt, %broadcast_in_dim3A_293, %lt3A_295 : vector<16xi32>
      %add3A_297 = arith.constant 16 : i32
      %add3A_298 = vector.broadcast %add3A_297 : i32 to vector<16xi32>
      %add3A_299 = arith.addi %broadcast_in_dim3A_293, %add3A_298 : vector<16xi32>
      %select_n3A_300 = arith.select %lt3A_296, %add3A_299, %broadcast_in_dim3A_293 : vector<16xi1>, vector<16xi32>
      %broadcast_in_dim3A_301 = vector.shape_cast %select_n3A_300 : vector<16xi32> to vector<16x1xi32>
      %gather3A_302 = vector.shape_cast %broadcast_in_dim3A_301 : vector<16x1xi32> to vector<16xi32>
      %gather3A_303 = tpu.dynamic_gather %add3A_54[%gather3A_302] in [0] : vector<16xi32>, vector<16xi32> -> vector<16xi32>
      %add3A_304 = arith.addi %gather3A_303, %mul3A_11 : vector<16xi32>
      %mul3A_305 = arith.constant 2 : i32
      %mul3A_306 = arith.muli %mul3A_305, %scan3A_36 : i32
      %add3A_307 = arith.constant 1 : i32
      %add3A_308 = arith.addi %mul3A_306, %add3A_307 : i32
      %swap3A_309 = arith.index_cast %add3A_308 : i32 to index
      %swap3A_310 = arith.constant 48 : index
      %swap3A_311 = tpu.vector_load %arg6[%swap3A_309, %swap3A_310] {strides = array<i32>} : memref<32x128xi32, #tpu.memory_space<vmem>>, vector<1x16xi32>,
      %swap3A_312 = vector.shape_cast %swap3A_311 : vector<1x16xi32> to vector<16xi32>
      %swap3A_313 = vector.shape_cast %add3A_304 : vector<16xi32> to vector<1x16xi32>
      tpu.vector_store %arg6[%swap3A_309, %swap3A_310], %swap3A_313 {strides = array<i32>} : memref<32x128xi32, #tpu.memory_space<vmem>>, vector<1x16xi32>,
      %broadcast_in_dim3A_314 = arith.constant 12 : i32
      %broadcast_in_dim3A_315 = vector.broadcast %broadcast_in_dim3A_314 : i32 to vector<16xi32>
      %lt3A_316 = arith.constant 0 : i32
      %lt3A_317 = vector.broadcast %lt3A_316 : i32 to vector<16xi32>
      %lt3A_318 = arith.cmpi slt, %broadcast_in_dim3A_315, %lt3A_317 : vector<16xi32>
      %add3A_319 = arith.constant 16 : i32
      %add3A_320 = vector.broadcast %add3A_319 : i32 to vector<16xi32>
      %add3A_321 = arith.addi %broadcast_in_dim3A_315, %add3A_320 : vector<16xi32>
      %select_n3A_322 = arith.select %lt3A_318, %add3A_321, %broadcast_in_dim3A_315 : vector<16xi1>, vector<16xi32>
      %broadcast_in_dim3A_323 = vector.shape_cast %select_n3A_322 : vector<16xi32> to vector<16x1xi32>
      %gather3A_324 = vector.shape_cast %broadcast_in_dim3A_323 : vector<16x1xi32> to vector<16xi32>
      %gather3A_325 = tpu.dynamic_gather %add3A_54[%gather3A_324] in [0] : vector<16xi32>, vector<16xi32> -> vector<16xi32>
      %add3A_326 = arith.addi %gather3A_325, %mul3A_11 : vector<16xi32>
      %mul3A_327 = arith.constant 2 : i32
      %mul3A_328 = arith.muli %mul3A_327, %scan3A_36 : i32
      %add3A_329 = arith.constant 1 : i32
      %add3A_330 = arith.addi %mul3A_328, %add3A_329 : i32
      %swap3A_331 = arith.index_cast %add3A_330 : i32 to index
      %swap3A_332 = arith.constant 64 : index
      %swap3A_333 = tpu.vector_load %arg6[%swap3A_331, %swap3A_332] {strides = array<i32>} : memref<32x128xi32, #tpu.memory_space<vmem>>, vector<1x16xi32>,
      %swap3A_334 = vector.shape_cast %swap3A_333 : vector<1x16xi32> to vector<16xi32>
      %swap3A_335 = vector.shape_cast %add3A_326 : vector<16xi32> to vector<1x16xi32>
      tpu.vector_store %arg6[%swap3A_331, %swap3A_332], %swap3A_335 {strides = array<i32>} : memref<32x128xi32, #tpu.memory_space<vmem>>, vector<1x16xi32>,
      %broadcast_in_dim3A_336 = arith.constant 13 : i32
      %broadcast_in_dim3A_337 = vector.broadcast %broadcast_in_dim3A_336 : i32 to vector<16xi32>
      %lt3A_338 = arith.constant 0 : i32
      %lt3A_339 = vector.broadcast %lt3A_338 : i32 to vector<16xi32>
      %lt3A_340 = arith.cmpi slt, %broadcast_in_dim3A_337, %lt3A_339 : vector<16xi32>
      %add3A_341 = arith.constant 16 : i32
      %add3A_342 = vector.broadcast %add3A_341 : i32 to vector<16xi32>
      %add3A_343 = arith.addi %broadcast_in_dim3A_337, %add3A_342 : vector<16xi32>
      %select_n3A_344 = arith.select %lt3A_340, %add3A_343, %broadcast_in_dim3A_337 : vector<16xi1>, vector<16xi32>
      %broadcast_in_dim3A_345 = vector.shape_cast %select_n3A_344 : vector<16xi32> to vector<16x1xi32>
      %gather3A_346 = vector.shape_cast %broadcast_in_dim3A_345 : vector<16x1xi32> to vector<16xi32>
      %gather3A_347 = tpu.dynamic_gather %add3A_54[%gather3A_346] in [0] : vector<16xi32>, vector<16xi32> -> vector<16xi32>
      %add3A_348 = arith.addi %gather3A_347, %mul3A_11 : vector<16xi32>
      %mul3A_349 = arith.constant 2 : i32
      %mul3A_350 = arith.muli %mul3A_349, %scan3A_36 : i32
      %add3A_351 = arith.constant 1 : i32
      %add3A_352 = arith.addi %mul3A_350, %add3A_351 : i32
      %swap3A_353 = arith.index_cast %add3A_352 : i32 to index
      %swap3A_354 = arith.constant 80 : index
      %swap3A_355 = tpu.vector_load %arg6[%swap3A_353, %swap3A_354] {strides = array<i32>} : memref<32x128xi32, #tpu.memory_space<vmem>>, vector<1x16xi32>,
      %swap3A_356 = vector.shape_cast %swap3A_355 : vector<1x16xi32> to vector<16xi32>
      %swap3A_357 = vector.shape_cast %add3A_348 : vector<16xi32> to vector<1x16xi32>
      tpu.vector_store %arg6[%swap3A_353, %swap3A_354], %swap3A_357 {strides = array<i32>} : memref<32x128xi32, #tpu.memory_space<vmem>>, vector<1x16xi32>,
      %broadcast_in_dim3A_358 = arith.constant 14 : i32
      %broadcast_in_dim3A_359 = vector.broadcast %broadcast_in_dim3A_358 : i32 to vector<16xi32>
      %lt3A_360 = arith.constant 0 : i32
      %lt3A_361 = vector.broadcast %lt3A_360 : i32 to vector<16xi32>
      %lt3A_362 = arith.cmpi slt, %broadcast_in_dim3A_359, %lt3A_361 : vector<16xi32>
      %add3A_363 = arith.constant 16 : i32
      %add3A_364 = vector.broadcast %add3A_363 : i32 to vector<16xi32>
      %add3A_365 = arith.addi %broadcast_in_dim3A_359, %add3A_364 : vector<16xi32>
      %select_n3A_366 = arith.select %lt3A_362, %add3A_365, %broadcast_in_dim3A_359 : vector<16xi1>, vector<16xi32>
      %broadcast_in_dim3A_367 = vector.shape_cast %select_n3A_366 : vector<16xi32> to vector<16x1xi32>
      %gather3A_368 = vector.shape_cast %broadcast_in_dim3A_367 : vector<16x1xi32> to vector<16xi32>
      %gather3A_369 = tpu.dynamic_gather %add3A_54[%gather3A_368] in [0] : vector<16xi32>, vector<16xi32> -> vector<16xi32>
      %add3A_370 = arith.addi %gather3A_369, %mul3A_11 : vector<16xi32>
      %mul3A_371 = arith.constant 2 : i32
      %mul3A_372 = arith.muli %mul3A_371, %scan3A_36 : i32
      %add3A_373 = arith.constant 1 : i32
      %add3A_374 = arith.addi %mul3A_372, %add3A_373 : i32
      %swap3A_375 = arith.index_cast %add3A_374 : i32 to index
      %swap3A_376 = arith.constant 96 : index
      %swap3A_377 = tpu.vector_load %arg6[%swap3A_375, %swap3A_376] {strides = array<i32>} : memref<32x128xi32, #tpu.memory_space<vmem>>, vector<1x16xi32>,
      %swap3A_378 = vector.shape_cast %swap3A_377 : vector<1x16xi32> to vector<16xi32>
      %swap3A_379 = vector.shape_cast %add3A_370 : vector<16xi32> to vector<1x16xi32>
      tpu.vector_store %arg6[%swap3A_375, %swap3A_376], %swap3A_379 {strides = array<i32>} : memref<32x128xi32, #tpu.memory_space<vmem>>, vector<1x16xi32>,
      %broadcast_in_dim3A_380 = arith.constant 15 : i32
      %broadcast_in_dim3A_381 = vector.broadcast %broadcast_in_dim3A_380 : i32 to vector<16xi32>
      %lt3A_382 = arith.constant 0 : i32
      %lt3A_383 = vector.broadcast %lt3A_382 : i32 to vector<16xi32>
      %lt3A_384 = arith.cmpi slt, %broadcast_in_dim3A_381, %lt3A_383 : vector<16xi32>
      %add3A_385 = arith.constant 16 : i32
      %add3A_386 = vector.broadcast %add3A_385 : i32 to vector<16xi32>
      %add3A_387 = arith.addi %broadcast_in_dim3A_381, %add3A_386 : vector<16xi32>
      %select_n3A_388 = arith.select %lt3A_384, %add3A_387, %broadcast_in_dim3A_381 : vector<16xi1>, vector<16xi32>
      %broadcast_in_dim3A_389 = vector.shape_cast %select_n3A_388 : vector<16xi32> to vector<16x1xi32>
      %gather3A_390 = vector.shape_cast %broadcast_in_dim3A_389 : vector<16x1xi32> to vector<16xi32>
      %gather3A_391 = tpu.dynamic_gather %add3A_54[%gather3A_390] in [0] : vector<16xi32>, vector<16xi32> -> vector<16xi32>
      %add3A_392 = arith.addi %gather3A_391, %mul3A_11 : vector<16xi32>
      %mul3A_393 = arith.constant 2 : i32
      %mul3A_394 = arith.muli %mul3A_393, %scan3A_36 : i32
      %add3A_395 = arith.constant 1 : i32
      %add3A_396 = arith.addi %mul3A_394, %add3A_395 : i32
      %swap3A_397 = arith.index_cast %add3A_396 : i32 to index
      %swap3A_398 = arith.constant 112 : index
      %swap3A_399 = tpu.vector_load %arg6[%swap3A_397, %swap3A_398] {strides = array<i32>} : memref<32x128xi32, #tpu.memory_space<vmem>>, vector<1x16xi32>,
      %swap3A_400 = vector.shape_cast %swap3A_399 : vector<1x16xi32> to vector<16xi32>
      %swap3A_401 = vector.shape_cast %add3A_392 : vector<16xi32> to vector<1x16xi32>
      tpu.vector_store %arg6[%swap3A_397, %swap3A_398], %swap3A_401 {strides = array<i32>} : memref<32x128xi32, #tpu.memory_space<vmem>>, vector<1x16xi32>,
      %scan3A_402 = arith.constant 0 : i32
      scf.yield %scan3A_402 : i32
    }
    %scan3A_21 = arith.constant 16 : i32
    %scan3A_22 = arith.constant 0 : i32
    %scan3A_23 = arith.constant 0 : i32
    %scan3A_24 = arith.constant 32 : i32
    %scan3A_25 = arith.addi %scan3A_23, %scan3A_24 : i32
    %scan3A_26 = arith.constant 1 : i32
    %scan3A_27 = scf.for %scan3A_36 = %scan3A_23 to %scan3A_25 step %scan3A_26 iter_args(%scan3A_37 = %scan3A_22) -> (i32)  : i32 {
      %mul3A_38 = arith.constant 128 : i32
      %mul3A_39 = arith.muli %scan3A_36, %mul3A_38 : i32
      %dma_start3A = tpu.memref_slice %arg8[%mul3A_39] : memref<4096xf32, #tpu.memory_space<vmem>> -> memref<128xf32, #tpu.memory_space<vmem>>
      %dma_start3A_40 = arith.constant 0 : i32
      %dma_start3A_41 = tpu.memref_slice %arg6[%scan3A_36, %dma_start3A_40] : memref<32x128xi32, #tpu.memory_space<vmem>> -> memref<1x128xi32, #tpu.memory_space<vmem>>
      %dma_start3A_42 = tpu.memref_squeeze %dma_start3A_41 : memref<1x128xi32, #tpu.memory_space<vmem>> -> memref<128xi32, #tpu.memory_space<vmem>>
      %dma_start3A_43 = arith.constant 0 : i32
      %dma_start3A_44 = tpu.memref_slice %arg3[%dma_start3A_43] : memref<41600000xf32, #tpu.memory_space<hbm>> -> memref<41600000xf32, #tpu.memory_space<hbm>>
      tpu.enqueue_indirect_dma source(%dma_start3A_44 : memref<41600000xf32, #tpu.memory_space<hbm>>) target(%dma_start3A : memref<128xf32, #tpu.memory_space<vmem>>) offsets(%dma_start3A_42 : memref<128xi32, #tpu.memory_space<vmem>>) semaphore(%arg10 : memref<!tpu.dma_semaphore, #tpu.memory_space<semaphore_mem>>)
      %scan3A_45 = arith.constant 0 : i32
      scf.yield %scan3A_45 : i32
    }
    %scan3A_28 = arith.constant 32 : i32
    %scan3A_29 = arith.constant 0 : i32
    %scan3A_30 = arith.constant 0 : i32
    %scan3A_31 = arith.constant 26 : i32
    %scan3A_32 = arith.addi %scan3A_30, %scan3A_31 : i32
    %scan3A_33 = arith.constant 1 : i32
    %scan3A_34 = scf.for %scan3A_36 = %scan3A_30 to %scan3A_32 step %scan3A_33 iter_args(%scan3A_37 = %scan3A_29) -> (i32)  : i32 {
      %mul3A_38 = arith.constant 2 : i32
      %mul3A_39 = arith.muli %mul3A_38, %scan3A_36 : i32
      %add3A_40 = arith.constant 1 : i32
      %add3A_41 = arith.addi %mul3A_39, %add3A_40 : i32
      %add3A_42 = arith.addi %mul3A_2, %add3A_41 : i32
      %mul3A_43 = arith.constant 256 : i32
      %mul3A_44 = arith.muli %add3A_42, %mul3A_43 : i32
      %scan3A_45 = arith.constant 0 : i32
      %scan3A_46 = arith.constant 0 : i32
      %scan3A_47 = arith.constant 16 : i32
      %scan3A_48 = arith.addi %scan3A_46, %scan3A_47 : i32
      %scan3A_49 = arith.constant 1 : i32
      %scan3A_50 = scf.for %scan3A_90 = %scan3A_46 to %scan3A_48 step %scan3A_49 iter_args(%scan3A_91 = %scan3A_45) -> (i32)  : i32 {
        %mul3A_92 = arith.constant 16 : i32
        %mul3A_93 = arith.muli %scan3A_90, %mul3A_92 : i32
        %get3A = arith.index_cast %add3A_41 : i32 to index
        %get3A_94 = arith.index_cast %mul3A_93 : i32 to index
        %get3A_95 = tpu.vector_load %arg5[%get3A, %get3A_94] {strides = array<i32>} : memref<52x256xi32, #tpu.memory_space<vmem>>, vector<1x16xi32>,
        %get3A_96 = vector.shape_cast %get3A_95 : vector<1x16xi32> to vector<16xi32>
        %mul3A_97 = arith.constant 16 : i32
        %mul3A_98 = arith.muli %scan3A_90, %mul3A_97 : i32
        %add3A_99 = arith.addi %mul3A_44, %mul3A_98 : i32
        %add3A_100 = vector.broadcast %add3A_99 : i32 to vector<16xi32>
        %add3A_101 = arith.addi %add3A_100, %iota3A : vector<16xi32>
        %rem3A = arith.constant 26 : i32
        %rem3A_102 = vector.broadcast %rem3A : i32 to vector<16xi32>
        %rem3A_103 = arith.remsi %add3A_101, %rem3A_102 : vector<16xi32>
        %mul3A_104 = arith.constant 1600000 : i32
        %mul3A_105 = vector.broadcast %mul3A_104 : i32 to vector<16xi32>
        %mul3A_106 = arith.muli %rem3A_103, %mul3A_105 : vector<16xi32>
        %add3A_107 = arith.addi %mul3A_106, %get3A_96 : vector<16xi32>
        %broadcast_in_dim3A = arith.constant 0 : i32
        %broadcast_in_dim3A_108 = vector.broadcast %broadcast_in_dim3A : i32 to vector<16xi32>
        %lt3A_109 = arith.constant 0 : i32
        %lt3A_110 = vector.broadcast %lt3A_109 : i32 to vector<16xi32>
        %lt3A_111 = arith.cmpi slt, %broadcast_in_dim3A_108, %lt3A_110 : vector<16xi32>
        %add3A_112 = arith.constant 16 : i32
        %add3A_113 = vector.broadcast %add3A_112 : i32 to vector<16xi32>
        %add3A_114 = arith.addi %broadcast_in_dim3A_108, %add3A_113 : vector<16xi32>
        %select_n3A = arith.select %lt3A_111, %add3A_114, %broadcast_in_dim3A_108 : vector<16xi1>, vector<16xi32>
        %broadcast_in_dim3A_115 = vector.shape_cast %select_n3A : vector<16xi32> to vector<16x1xi32>
        %gather3A = vector.shape_cast %broadcast_in_dim3A_115 : vector<16x1xi32> to vector<16xi32>
        %gather3A_116 = tpu.dynamic_gather %add3A_107[%gather3A] in [0] : vector<16xi32>, vector<16xi32> -> vector<16xi32>
        %add3A_117 = arith.addi %gather3A_116, %mul3A_11 : vector<16xi32>
        %mul3A_118 = arith.constant 2 : i32
        %mul3A_119 = arith.muli %mul3A_118, %scan3A_90 : i32
        %add3A_120 = arith.constant 0 : i32
        %add3A_121 = arith.addi %mul3A_119, %add3A_120 : i32
        %swap3A = arith.index_cast %add3A_121 : i32 to index
        %swap3A_122 = arith.constant 0 : index
        %swap3A_123 = tpu.vector_load %arg7[%swap3A, %swap3A_122] {strides = array<i32>} : memref<32x128xi32, #tpu.memory_space<vmem>>, vector<1x16xi32>,
        %swap3A_124 = vector.shape_cast %swap3A_123 : vector<1x16xi32> to vector<16xi32>
        %swap3A_125 = vector.shape_cast %add3A_117 : vector<16xi32> to vector<1x16xi32>
        tpu.vector_store %arg7[%swap3A, %swap3A_122], %swap3A_125 {strides = array<i32>} : memref<32x128xi32, #tpu.memory_space<vmem>>, vector<1x16xi32>,
        %broadcast_in_dim3A_126 = arith.constant 1 : i32
        %broadcast_in_dim3A_127 = vector.broadcast %broadcast_in_dim3A_126 : i32 to vector<16xi32>
        %lt3A_128 = arith.constant 0 : i32
        %lt3A_129 = vector.broadcast %lt3A_128 : i32 to vector<16xi32>
        %lt3A_130 = arith.cmpi slt, %broadcast_in_dim3A_127, %lt3A_129 : vector<16xi32>
        %add3A_131 = arith.constant 16 : i32
        %add3A_132 = vector.broadcast %add3A_131 : i32 to vector<16xi32>
        %add3A_133 = arith.addi %broadcast_in_dim3A_127, %add3A_132 : vector<16xi32>
        %select_n3A_134 = arith.select %lt3A_130, %add3A_133, %broadcast_in_dim3A_127 : vector<16xi1>, vector<16xi32>
        %broadcast_in_dim3A_135 = vector.shape_cast %select_n3A_134 : vector<16xi32> to vector<16x1xi32>
        %gather3A_136 = vector.shape_cast %broadcast_in_dim3A_135 : vector<16x1xi32> to vector<16xi32>
        %gather3A_137 = tpu.dynamic_gather %add3A_107[%gather3A_136] in [0] : vector<16xi32>, vector<16xi32> -> vector<16xi32>
        %add3A_138 = arith.addi %gather3A_137, %mul3A_11 : vector<16xi32>
        %mul3A_139 = arith.constant 2 : i32
        %mul3A_140 = arith.muli %mul3A_139, %scan3A_90 : i32
        %add3A_141 = arith.constant 0 : i32
        %add3A_142 = arith.addi %mul3A_140, %add3A_141 : i32
        %swap3A_143 = arith.index_cast %add3A_142 : i32 to index
        %swap3A_144 = arith.constant 16 : index
        %swap3A_145 = tpu.vector_load %arg7[%swap3A_143, %swap3A_144] {strides = array<i32>} : memref<32x128xi32, #tpu.memory_space<vmem>>, vector<1x16xi32>,
        %swap3A_146 = vector.shape_cast %swap3A_145 : vector<1x16xi32> to vector<16xi32>
        %swap3A_147 = vector.shape_cast %add3A_138 : vector<16xi32> to vector<1x16xi32>
        tpu.vector_store %arg7[%swap3A_143, %swap3A_144], %swap3A_147 {strides = array<i32>} : memref<32x128xi32, #tpu.memory_space<vmem>>, vector<1x16xi32>,
        %broadcast_in_dim3A_148 = arith.constant 2 : i32
        %broadcast_in_dim3A_149 = vector.broadcast %broadcast_in_dim3A_148 : i32 to vector<16xi32>
        %lt3A_150 = arith.constant 0 : i32
        %lt3A_151 = vector.broadcast %lt3A_150 : i32 to vector<16xi32>
        %lt3A_152 = arith.cmpi slt, %broadcast_in_dim3A_149, %lt3A_151 : vector<16xi32>
        %add3A_153 = arith.constant 16 : i32
        %add3A_154 = vector.broadcast %add3A_153 : i32 to vector<16xi32>
        %add3A_155 = arith.addi %broadcast_in_dim3A_149, %add3A_154 : vector<16xi32>
        %select_n3A_156 = arith.select %lt3A_152, %add3A_155, %broadcast_in_dim3A_149 : vector<16xi1>, vector<16xi32>
        %broadcast_in_dim3A_157 = vector.shape_cast %select_n3A_156 : vector<16xi32> to vector<16x1xi32>
        %gather3A_158 = vector.shape_cast %broadcast_in_dim3A_157 : vector<16x1xi32> to vector<16xi32>
        %gather3A_159 = tpu.dynamic_gather %add3A_107[%gather3A_158] in [0] : vector<16xi32>, vector<16xi32> -> vector<16xi32>
        %add3A_160 = arith.addi %gather3A_159, %mul3A_11 : vector<16xi32>
        %mul3A_161 = arith.constant 2 : i32
        %mul3A_162 = arith.muli %mul3A_161, %scan3A_90 : i32
        %add3A_163 = arith.constant 0 : i32
        %add3A_164 = arith.addi %mul3A_162, %add3A_163 : i32
        %swap3A_165 = arith.index_cast %add3A_164 : i32 to index
        %swap3A_166 = arith.constant 32 : index
        %swap3A_167 = tpu.vector_load %arg7[%swap3A_165, %swap3A_166] {strides = array<i32>} : memref<32x128xi32, #tpu.memory_space<vmem>>, vector<1x16xi32>,
        %swap3A_168 = vector.shape_cast %swap3A_167 : vector<1x16xi32> to vector<16xi32>
        %swap3A_169 = vector.shape_cast %add3A_160 : vector<16xi32> to vector<1x16xi32>
        tpu.vector_store %arg7[%swap3A_165, %swap3A_166], %swap3A_169 {strides = array<i32>} : memref<32x128xi32, #tpu.memory_space<vmem>>, vector<1x16xi32>,
        %broadcast_in_dim3A_170 = arith.constant 3 : i32
        %broadcast_in_dim3A_171 = vector.broadcast %broadcast_in_dim3A_170 : i32 to vector<16xi32>
        %lt3A_172 = arith.constant 0 : i32
        %lt3A_173 = vector.broadcast %lt3A_172 : i32 to vector<16xi32>
        %lt3A_174 = arith.cmpi slt, %broadcast_in_dim3A_171, %lt3A_173 : vector<16xi32>
        %add3A_175 = arith.constant 16 : i32
        %add3A_176 = vector.broadcast %add3A_175 : i32 to vector<16xi32>
        %add3A_177 = arith.addi %broadcast_in_dim3A_171, %add3A_176 : vector<16xi32>
        %select_n3A_178 = arith.select %lt3A_174, %add3A_177, %broadcast_in_dim3A_171 : vector<16xi1>, vector<16xi32>
        %broadcast_in_dim3A_179 = vector.shape_cast %select_n3A_178 : vector<16xi32> to vector<16x1xi32>
        %gather3A_180 = vector.shape_cast %broadcast_in_dim3A_179 : vector<16x1xi32> to vector<16xi32>
        %gather3A_181 = tpu.dynamic_gather %add3A_107[%gather3A_180] in [0] : vector<16xi32>, vector<16xi32> -> vector<16xi32>
        %add3A_182 = arith.addi %gather3A_181, %mul3A_11 : vector<16xi32>
        %mul3A_183 = arith.constant 2 : i32
        %mul3A_184 = arith.muli %mul3A_183, %scan3A_90 : i32
        %add3A_185 = arith.constant 0 : i32
        %add3A_186 = arith.addi %mul3A_184, %add3A_185 : i32
        %swap3A_187 = arith.index_cast %add3A_186 : i32 to index
        %swap3A_188 = arith.constant 48 : index
        %swap3A_189 = tpu.vector_load %arg7[%swap3A_187, %swap3A_188] {strides = array<i32>} : memref<32x128xi32, #tpu.memory_space<vmem>>, vector<1x16xi32>,
        %swap3A_190 = vector.shape_cast %swap3A_189 : vector<1x16xi32> to vector<16xi32>
        %swap3A_191 = vector.shape_cast %add3A_182 : vector<16xi32> to vector<1x16xi32>
        tpu.vector_store %arg7[%swap3A_187, %swap3A_188], %swap3A_191 {strides = array<i32>} : memref<32x128xi32, #tpu.memory_space<vmem>>, vector<1x16xi32>,
        %broadcast_in_dim3A_192 = arith.constant 4 : i32
        %broadcast_in_dim3A_193 = vector.broadcast %broadcast_in_dim3A_192 : i32 to vector<16xi32>
        %lt3A_194 = arith.constant 0 : i32
        %lt3A_195 = vector.broadcast %lt3A_194 : i32 to vector<16xi32>
        %lt3A_196 = arith.cmpi slt, %broadcast_in_dim3A_193, %lt3A_195 : vector<16xi32>
        %add3A_197 = arith.constant 16 : i32
        %add3A_198 = vector.broadcast %add3A_197 : i32 to vector<16xi32>
        %add3A_199 = arith.addi %broadcast_in_dim3A_193, %add3A_198 : vector<16xi32>
        %select_n3A_200 = arith.select %lt3A_196, %add3A_199, %broadcast_in_dim3A_193 : vector<16xi1>, vector<16xi32>
        %broadcast_in_dim3A_201 = vector.shape_cast %select_n3A_200 : vector<16xi32> to vector<16x1xi32>
        %gather3A_202 = vector.shape_cast %broadcast_in_dim3A_201 : vector<16x1xi32> to vector<16xi32>
        %gather3A_203 = tpu.dynamic_gather %add3A_107[%gather3A_202] in [0] : vector<16xi32>, vector<16xi32> -> vector<16xi32>
        %add3A_204 = arith.addi %gather3A_203, %mul3A_11 : vector<16xi32>
        %mul3A_205 = arith.constant 2 : i32
        %mul3A_206 = arith.muli %mul3A_205, %scan3A_90 : i32
        %add3A_207 = arith.constant 0 : i32
        %add3A_208 = arith.addi %mul3A_206, %add3A_207 : i32
        %swap3A_209 = arith.index_cast %add3A_208 : i32 to index
        %swap3A_210 = arith.constant 64 : index
        %swap3A_211 = tpu.vector_load %arg7[%swap3A_209, %swap3A_210] {strides = array<i32>} : memref<32x128xi32, #tpu.memory_space<vmem>>, vector<1x16xi32>,
        %swap3A_212 = vector.shape_cast %swap3A_211 : vector<1x16xi32> to vector<16xi32>
        %swap3A_213 = vector.shape_cast %add3A_204 : vector<16xi32> to vector<1x16xi32>
        tpu.vector_store %arg7[%swap3A_209, %swap3A_210], %swap3A_213 {strides = array<i32>} : memref<32x128xi32, #tpu.memory_space<vmem>>, vector<1x16xi32>,
        %broadcast_in_dim3A_214 = arith.constant 5 : i32
        %broadcast_in_dim3A_215 = vector.broadcast %broadcast_in_dim3A_214 : i32 to vector<16xi32>
        %lt3A_216 = arith.constant 0 : i32
        %lt3A_217 = vector.broadcast %lt3A_216 : i32 to vector<16xi32>
        %lt3A_218 = arith.cmpi slt, %broadcast_in_dim3A_215, %lt3A_217 : vector<16xi32>
        %add3A_219 = arith.constant 16 : i32
        %add3A_220 = vector.broadcast %add3A_219 : i32 to vector<16xi32>
        %add3A_221 = arith.addi %broadcast_in_dim3A_215, %add3A_220 : vector<16xi32>
        %select_n3A_222 = arith.select %lt3A_218, %add3A_221, %broadcast_in_dim3A_215 : vector<16xi1>, vector<16xi32>
        %broadcast_in_dim3A_223 = vector.shape_cast %select_n3A_222 : vector<16xi32> to vector<16x1xi32>
        %gather3A_224 = vector.shape_cast %broadcast_in_dim3A_223 : vector<16x1xi32> to vector<16xi32>
        %gather3A_225 = tpu.dynamic_gather %add3A_107[%gather3A_224] in [0] : vector<16xi32>, vector<16xi32> -> vector<16xi32>
        %add3A_226 = arith.addi %gather3A_225, %mul3A_11 : vector<16xi32>
        %mul3A_227 = arith.constant 2 : i32
        %mul3A_228 = arith.muli %mul3A_227, %scan3A_90 : i32
        %add3A_229 = arith.constant 0 : i32
        %add3A_230 = arith.addi %mul3A_228, %add3A_229 : i32
        %swap3A_231 = arith.index_cast %add3A_230 : i32 to index
        %swap3A_232 = arith.constant 80 : index
        %swap3A_233 = tpu.vector_load %arg7[%swap3A_231, %swap3A_232] {strides = array<i32>} : memref<32x128xi32, #tpu.memory_space<vmem>>, vector<1x16xi32>,
        %swap3A_234 = vector.shape_cast %swap3A_233 : vector<1x16xi32> to vector<16xi32>
        %swap3A_235 = vector.shape_cast %add3A_226 : vector<16xi32> to vector<1x16xi32>
        tpu.vector_store %arg7[%swap3A_231, %swap3A_232], %swap3A_235 {strides = array<i32>} : memref<32x128xi32, #tpu.memory_space<vmem>>, vector<1x16xi32>,
        %broadcast_in_dim3A_236 = arith.constant 6 : i32
        %broadcast_in_dim3A_237 = vector.broadcast %broadcast_in_dim3A_236 : i32 to vector<16xi32>
        %lt3A_238 = arith.constant 0 : i32
        %lt3A_239 = vector.broadcast %lt3A_238 : i32 to vector<16xi32>
        %lt3A_240 = arith.cmpi slt, %broadcast_in_dim3A_237, %lt3A_239 : vector<16xi32>
        %add3A_241 = arith.constant 16 : i32
        %add3A_242 = vector.broadcast %add3A_241 : i32 to vector<16xi32>
        %add3A_243 = arith.addi %broadcast_in_dim3A_237, %add3A_242 : vector<16xi32>
        %select_n3A_244 = arith.select %lt3A_240, %add3A_243, %broadcast_in_dim3A_237 : vector<16xi1>, vector<16xi32>
        %broadcast_in_dim3A_245 = vector.shape_cast %select_n3A_244 : vector<16xi32> to vector<16x1xi32>
        %gather3A_246 = vector.shape_cast %broadcast_in_dim3A_245 : vector<16x1xi32> to vector<16xi32>
        %gather3A_247 = tpu.dynamic_gather %add3A_107[%gather3A_246] in [0] : vector<16xi32>, vector<16xi32> -> vector<16xi32>
        %add3A_248 = arith.addi %gather3A_247, %mul3A_11 : vector<16xi32>
        %mul3A_249 = arith.constant 2 : i32
        %mul3A_250 = arith.muli %mul3A_249, %scan3A_90 : i32
        %add3A_251 = arith.constant 0 : i32
        %add3A_252 = arith.addi %mul3A_250, %add3A_251 : i32
        %swap3A_253 = arith.index_cast %add3A_252 : i32 to index
        %swap3A_254 = arith.constant 96 : index
        %swap3A_255 = tpu.vector_load %arg7[%swap3A_253, %swap3A_254] {strides = array<i32>} : memref<32x128xi32, #tpu.memory_space<vmem>>, vector<1x16xi32>,
        %swap3A_256 = vector.shape_cast %swap3A_255 : vector<1x16xi32> to vector<16xi32>
        %swap3A_257 = vector.shape_cast %add3A_248 : vector<16xi32> to vector<1x16xi32>
        tpu.vector_store %arg7[%swap3A_253, %swap3A_254], %swap3A_257 {strides = array<i32>} : memref<32x128xi32, #tpu.memory_space<vmem>>, vector<1x16xi32>,
        %broadcast_in_dim3A_258 = arith.constant 7 : i32
        %broadcast_in_dim3A_259 = vector.broadcast %broadcast_in_dim3A_258 : i32 to vector<16xi32>
        %lt3A_260 = arith.constant 0 : i32
        %lt3A_261 = vector.broadcast %lt3A_260 : i32 to vector<16xi32>
        %lt3A_262 = arith.cmpi slt, %broadcast_in_dim3A_259, %lt3A_261 : vector<16xi32>
        %add3A_263 = arith.constant 16 : i32
        %add3A_264 = vector.broadcast %add3A_263 : i32 to vector<16xi32>
        %add3A_265 = arith.addi %broadcast_in_dim3A_259, %add3A_264 : vector<16xi32>
        %select_n3A_266 = arith.select %lt3A_262, %add3A_265, %broadcast_in_dim3A_259 : vector<16xi1>, vector<16xi32>
        %broadcast_in_dim3A_267 = vector.shape_cast %select_n3A_266 : vector<16xi32> to vector<16x1xi32>
        %gather3A_268 = vector.shape_cast %broadcast_in_dim3A_267 : vector<16x1xi32> to vector<16xi32>
        %gather3A_269 = tpu.dynamic_gather %add3A_107[%gather3A_268] in [0] : vector<16xi32>, vector<16xi32> -> vector<16xi32>
        %add3A_270 = arith.addi %gather3A_269, %mul3A_11 : vector<16xi32>
        %mul3A_271 = arith.constant 2 : i32
        %mul3A_272 = arith.muli %mul3A_271, %scan3A_90 : i32
        %add3A_273 = arith.constant 0 : i32
        %add3A_274 = arith.addi %mul3A_272, %add3A_273 : i32
        %swap3A_275 = arith.index_cast %add3A_274 : i32 to index
        %swap3A_276 = arith.constant 112 : index
        %swap3A_277 = tpu.vector_load %arg7[%swap3A_275, %swap3A_276] {strides = array<i32>} : memref<32x128xi32, #tpu.memory_space<vmem>>, vector<1x16xi32>,
        %swap3A_278 = vector.shape_cast %swap3A_277 : vector<1x16xi32> to vector<16xi32>
        %swap3A_279 = vector.shape_cast %add3A_270 : vector<16xi32> to vector<1x16xi32>
        tpu.vector_store %arg7[%swap3A_275, %swap3A_276], %swap3A_279 {strides = array<i32>} : memref<32x128xi32, #tpu.memory_space<vmem>>, vector<1x16xi32>,
        %broadcast_in_dim3A_280 = arith.constant 8 : i32
        %broadcast_in_dim3A_281 = vector.broadcast %broadcast_in_dim3A_280 : i32 to vector<16xi32>
        %lt3A_282 = arith.constant 0 : i32
        %lt3A_283 = vector.broadcast %lt3A_282 : i32 to vector<16xi32>
        %lt3A_284 = arith.cmpi slt, %broadcast_in_dim3A_281, %lt3A_283 : vector<16xi32>
        %add3A_285 = arith.constant 16 : i32
        %add3A_286 = vector.broadcast %add3A_285 : i32 to vector<16xi32>
        %add3A_287 = arith.addi %broadcast_in_dim3A_281, %add3A_286 : vector<16xi32>
        %select_n3A_288 = arith.select %lt3A_284, %add3A_287, %broadcast_in_dim3A_281 : vector<16xi1>, vector<16xi32>
        %broadcast_in_dim3A_289 = vector.shape_cast %select_n3A_288 : vector<16xi32> to vector<16x1xi32>
        %gather3A_290 = vector.shape_cast %broadcast_in_dim3A_289 : vector<16x1xi32> to vector<16xi32>
        %gather3A_291 = tpu.dynamic_gather %add3A_107[%gather3A_290] in [0] : vector<16xi32>, vector<16xi32> -> vector<16xi32>
        %add3A_292 = arith.addi %gather3A_291, %mul3A_11 : vector<16xi32>
        %mul3A_293 = arith.constant 2 : i32
        %mul3A_294 = arith.muli %mul3A_293, %scan3A_90 : i32
        %add3A_295 = arith.constant 1 : i32
        %add3A_296 = arith.addi %mul3A_294, %add3A_295 : i32
        %swap3A_297 = arith.index_cast %add3A_296 : i32 to index
        %swap3A_298 = arith.constant 0 : index
        %swap3A_299 = tpu.vector_load %arg7[%swap3A_297, %swap3A_298] {strides = array<i32>} : memref<32x128xi32, #tpu.memory_space<vmem>>, vector<1x16xi32>,
        %swap3A_300 = vector.shape_cast %swap3A_299 : vector<1x16xi32> to vector<16xi32>
        %swap3A_301 = vector.shape_cast %add3A_292 : vector<16xi32> to vector<1x16xi32>
        tpu.vector_store %arg7[%swap3A_297, %swap3A_298], %swap3A_301 {strides = array<i32>} : memref<32x128xi32, #tpu.memory_space<vmem>>, vector<1x16xi32>,
        %broadcast_in_dim3A_302 = arith.constant 9 : i32
        %broadcast_in_dim3A_303 = vector.broadcast %broadcast_in_dim3A_302 : i32 to vector<16xi32>
        %lt3A_304 = arith.constant 0 : i32
        %lt3A_305 = vector.broadcast %lt3A_304 : i32 to vector<16xi32>
        %lt3A_306 = arith.cmpi slt, %broadcast_in_dim3A_303, %lt3A_305 : vector<16xi32>
        %add3A_307 = arith.constant 16 : i32
        %add3A_308 = vector.broadcast %add3A_307 : i32 to vector<16xi32>
        %add3A_309 = arith.addi %broadcast_in_dim3A_303, %add3A_308 : vector<16xi32>
        %select_n3A_310 = arith.select %lt3A_306, %add3A_309, %broadcast_in_dim3A_303 : vector<16xi1>, vector<16xi32>
        %broadcast_in_dim3A_311 = vector.shape_cast %select_n3A_310 : vector<16xi32> to vector<16x1xi32>
        %gather3A_312 = vector.shape_cast %broadcast_in_dim3A_311 : vector<16x1xi32> to vector<16xi32>
        %gather3A_313 = tpu.dynamic_gather %add3A_107[%gather3A_312] in [0] : vector<16xi32>, vector<16xi32> -> vector<16xi32>
        %add3A_314 = arith.addi %gather3A_313, %mul3A_11 : vector<16xi32>
        %mul3A_315 = arith.constant 2 : i32
        %mul3A_316 = arith.muli %mul3A_315, %scan3A_90 : i32
        %add3A_317 = arith.constant 1 : i32
        %add3A_318 = arith.addi %mul3A_316, %add3A_317 : i32
        %swap3A_319 = arith.index_cast %add3A_318 : i32 to index
        %swap3A_320 = arith.constant 16 : index
        %swap3A_321 = tpu.vector_load %arg7[%swap3A_319, %swap3A_320] {strides = array<i32>} : memref<32x128xi32, #tpu.memory_space<vmem>>, vector<1x16xi32>,
        %swap3A_322 = vector.shape_cast %swap3A_321 : vector<1x16xi32> to vector<16xi32>
        %swap3A_323 = vector.shape_cast %add3A_314 : vector<16xi32> to vector<1x16xi32>
        tpu.vector_store %arg7[%swap3A_319, %swap3A_320], %swap3A_323 {strides = array<i32>} : memref<32x128xi32, #tpu.memory_space<vmem>>, vector<1x16xi32>,
        %broadcast_in_dim3A_324 = arith.constant 10 : i32
        %broadcast_in_dim3A_325 = vector.broadcast %broadcast_in_dim3A_324 : i32 to vector<16xi32>
        %lt3A_326 = arith.constant 0 : i32
        %lt3A_327 = vector.broadcast %lt3A_326 : i32 to vector<16xi32>
        %lt3A_328 = arith.cmpi slt, %broadcast_in_dim3A_325, %lt3A_327 : vector<16xi32>
        %add3A_329 = arith.constant 16 : i32
        %add3A_330 = vector.broadcast %add3A_329 : i32 to vector<16xi32>
        %add3A_331 = arith.addi %broadcast_in_dim3A_325, %add3A_330 : vector<16xi32>
        %select_n3A_332 = arith.select %lt3A_328, %add3A_331, %broadcast_in_dim3A_325 : vector<16xi1>, vector<16xi32>
        %broadcast_in_dim3A_333 = vector.shape_cast %select_n3A_332 : vector<16xi32> to vector<16x1xi32>
        %gather3A_334 = vector.shape_cast %broadcast_in_dim3A_333 : vector<16x1xi32> to vector<16xi32>
        %gather3A_335 = tpu.dynamic_gather %add3A_107[%gather3A_334] in [0] : vector<16xi32>, vector<16xi32> -> vector<16xi32>
        %add3A_336 = arith.addi %gather3A_335, %mul3A_11 : vector<16xi32>
        %mul3A_337 = arith.constant 2 : i32
        %mul3A_338 = arith.muli %mul3A_337, %scan3A_90 : i32
        %add3A_339 = arith.constant 1 : i32
        %add3A_340 = arith.addi %mul3A_338, %add3A_339 : i32
        %swap3A_341 = arith.index_cast %add3A_340 : i32 to index
        %swap3A_342 = arith.constant 32 : index
        %swap3A_343 = tpu.vector_load %arg7[%swap3A_341, %swap3A_342] {strides = array<i32>} : memref<32x128xi32, #tpu.memory_space<vmem>>, vector<1x16xi32>,
        %swap3A_344 = vector.shape_cast %swap3A_343 : vector<1x16xi32> to vector<16xi32>
        %swap3A_345 = vector.shape_cast %add3A_336 : vector<16xi32> to vector<1x16xi32>
        tpu.vector_store %arg7[%swap3A_341, %swap3A_342], %swap3A_345 {strides = array<i32>} : memref<32x128xi32, #tpu.memory_space<vmem>>, vector<1x16xi32>,
        %broadcast_in_dim3A_346 = arith.constant 11 : i32
        %broadcast_in_dim3A_347 = vector.broadcast %broadcast_in_dim3A_346 : i32 to vector<16xi32>
        %lt3A_348 = arith.constant 0 : i32
        %lt3A_349 = vector.broadcast %lt3A_348 : i32 to vector<16xi32>
        %lt3A_350 = arith.cmpi slt, %broadcast_in_dim3A_347, %lt3A_349 : vector<16xi32>
        %add3A_351 = arith.constant 16 : i32
        %add3A_352 = vector.broadcast %add3A_351 : i32 to vector<16xi32>
        %add3A_353 = arith.addi %broadcast_in_dim3A_347, %add3A_352 : vector<16xi32>
        %select_n3A_354 = arith.select %lt3A_350, %add3A_353, %broadcast_in_dim3A_347 : vector<16xi1>, vector<16xi32>
        %broadcast_in_dim3A_355 = vector.shape_cast %select_n3A_354 : vector<16xi32> to vector<16x1xi32>
        %gather3A_356 = vector.shape_cast %broadcast_in_dim3A_355 : vector<16x1xi32> to vector<16xi32>
        %gather3A_357 = tpu.dynamic_gather %add3A_107[%gather3A_356] in [0] : vector<16xi32>, vector<16xi32> -> vector<16xi32>
        %add3A_358 = arith.addi %gather3A_357, %mul3A_11 : vector<16xi32>
        %mul3A_359 = arith.constant 2 : i32
        %mul3A_360 = arith.muli %mul3A_359, %scan3A_90 : i32
        %add3A_361 = arith.constant 1 : i32
        %add3A_362 = arith.addi %mul3A_360, %add3A_361 : i32
        %swap3A_363 = arith.index_cast %add3A_362 : i32 to index
        %swap3A_364 = arith.constant 48 : index
        %swap3A_365 = tpu.vector_load %arg7[%swap3A_363, %swap3A_364] {strides = array<i32>} : memref<32x128xi32, #tpu.memory_space<vmem>>, vector<1x16xi32>,
        %swap3A_366 = vector.shape_cast %swap3A_365 : vector<1x16xi32> to vector<16xi32>
        %swap3A_367 = vector.shape_cast %add3A_358 : vector<16xi32> to vector<1x16xi32>
        tpu.vector_store %arg7[%swap3A_363, %swap3A_364], %swap3A_367 {strides = array<i32>} : memref<32x128xi32, #tpu.memory_space<vmem>>, vector<1x16xi32>,
        %broadcast_in_dim3A_368 = arith.constant 12 : i32
        %broadcast_in_dim3A_369 = vector.broadcast %broadcast_in_dim3A_368 : i32 to vector<16xi32>
        %lt3A_370 = arith.constant 0 : i32
        %lt3A_371 = vector.broadcast %lt3A_370 : i32 to vector<16xi32>
        %lt3A_372 = arith.cmpi slt, %broadcast_in_dim3A_369, %lt3A_371 : vector<16xi32>
        %add3A_373 = arith.constant 16 : i32
        %add3A_374 = vector.broadcast %add3A_373 : i32 to vector<16xi32>
        %add3A_375 = arith.addi %broadcast_in_dim3A_369, %add3A_374 : vector<16xi32>
        %select_n3A_376 = arith.select %lt3A_372, %add3A_375, %broadcast_in_dim3A_369 : vector<16xi1>, vector<16xi32>
        %broadcast_in_dim3A_377 = vector.shape_cast %select_n3A_376 : vector<16xi32> to vector<16x1xi32>
        %gather3A_378 = vector.shape_cast %broadcast_in_dim3A_377 : vector<16x1xi32> to vector<16xi32>
        %gather3A_379 = tpu.dynamic_gather %add3A_107[%gather3A_378] in [0] : vector<16xi32>, vector<16xi32> -> vector<16xi32>
        %add3A_380 = arith.addi %gather3A_379, %mul3A_11 : vector<16xi32>
        %mul3A_381 = arith.constant 2 : i32
        %mul3A_382 = arith.muli %mul3A_381, %scan3A_90 : i32
        %add3A_383 = arith.constant 1 : i32
        %add3A_384 = arith.addi %mul3A_382, %add3A_383 : i32
        %swap3A_385 = arith.index_cast %add3A_384 : i32 to index
        %swap3A_386 = arith.constant 64 : index
        %swap3A_387 = tpu.vector_load %arg7[%swap3A_385, %swap3A_386] {strides = array<i32>} : memref<32x128xi32, #tpu.memory_space<vmem>>, vector<1x16xi32>,
        %swap3A_388 = vector.shape_cast %swap3A_387 : vector<1x16xi32> to vector<16xi32>
        %swap3A_389 = vector.shape_cast %add3A_380 : vector<16xi32> to vector<1x16xi32>
        tpu.vector_store %arg7[%swap3A_385, %swap3A_386], %swap3A_389 {strides = array<i32>} : memref<32x128xi32, #tpu.memory_space<vmem>>, vector<1x16xi32>,
        %broadcast_in_dim3A_390 = arith.constant 13 : i32
        %broadcast_in_dim3A_391 = vector.broadcast %broadcast_in_dim3A_390 : i32 to vector<16xi32>
        %lt3A_392 = arith.constant 0 : i32
        %lt3A_393 = vector.broadcast %lt3A_392 : i32 to vector<16xi32>
        %lt3A_394 = arith.cmpi slt, %broadcast_in_dim3A_391, %lt3A_393 : vector<16xi32>
        %add3A_395 = arith.constant 16 : i32
        %add3A_396 = vector.broadcast %add3A_395 : i32 to vector<16xi32>
        %add3A_397 = arith.addi %broadcast_in_dim3A_391, %add3A_396 : vector<16xi32>
        %select_n3A_398 = arith.select %lt3A_394, %add3A_397, %broadcast_in_dim3A_391 : vector<16xi1>, vector<16xi32>
        %broadcast_in_dim3A_399 = vector.shape_cast %select_n3A_398 : vector<16xi32> to vector<16x1xi32>
        %gather3A_400 = vector.shape_cast %broadcast_in_dim3A_399 : vector<16x1xi32> to vector<16xi32>
        %gather3A_401 = tpu.dynamic_gather %add3A_107[%gather3A_400] in [0] : vector<16xi32>, vector<16xi32> -> vector<16xi32>
        %add3A_402 = arith.addi %gather3A_401, %mul3A_11 : vector<16xi32>
        %mul3A_403 = arith.constant 2 : i32
        %mul3A_404 = arith.muli %mul3A_403, %scan3A_90 : i32
        %add3A_405 = arith.constant 1 : i32
        %add3A_406 = arith.addi %mul3A_404, %add3A_405 : i32
        %swap3A_407 = arith.index_cast %add3A_406 : i32 to index
        %swap3A_408 = arith.constant 80 : index
        %swap3A_409 = tpu.vector_load %arg7[%swap3A_407, %swap3A_408] {strides = array<i32>} : memref<32x128xi32, #tpu.memory_space<vmem>>, vector<1x16xi32>,
        %swap3A_410 = vector.shape_cast %swap3A_409 : vector<1x16xi32> to vector<16xi32>
        %swap3A_411 = vector.shape_cast %add3A_402 : vector<16xi32> to vector<1x16xi32>
        tpu.vector_store %arg7[%swap3A_407, %swap3A_408], %swap3A_411 {strides = array<i32>} : memref<32x128xi32, #tpu.memory_space<vmem>>, vector<1x16xi32>,
        %broadcast_in_dim3A_412 = arith.constant 14 : i32
        %broadcast_in_dim3A_413 = vector.broadcast %broadcast_in_dim3A_412 : i32 to vector<16xi32>
        %lt3A_414 = arith.constant 0 : i32
        %lt3A_415 = vector.broadcast %lt3A_414 : i32 to vector<16xi32>
        %lt3A_416 = arith.cmpi slt, %broadcast_in_dim3A_413, %lt3A_415 : vector<16xi32>
        %add3A_417 = arith.constant 16 : i32
        %add3A_418 = vector.broadcast %add3A_417 : i32 to vector<16xi32>
        %add3A_419 = arith.addi %broadcast_in_dim3A_413, %add3A_418 : vector<16xi32>
        %select_n3A_420 = arith.select %lt3A_416, %add3A_419, %broadcast_in_dim3A_413 : vector<16xi1>, vector<16xi32>
        %broadcast_in_dim3A_421 = vector.shape_cast %select_n3A_420 : vector<16xi32> to vector<16x1xi32>
        %gather3A_422 = vector.shape_cast %broadcast_in_dim3A_421 : vector<16x1xi32> to vector<16xi32>
        %gather3A_423 = tpu.dynamic_gather %add3A_107[%gather3A_422] in [0] : vector<16xi32>, vector<16xi32> -> vector<16xi32>
        %add3A_424 = arith.addi %gather3A_423, %mul3A_11 : vector<16xi32>
        %mul3A_425 = arith.constant 2 : i32
        %mul3A_426 = arith.muli %mul3A_425, %scan3A_90 : i32
        %add3A_427 = arith.constant 1 : i32
        %add3A_428 = arith.addi %mul3A_426, %add3A_427 : i32
        %swap3A_429 = arith.index_cast %add3A_428 : i32 to index
        %swap3A_430 = arith.constant 96 : index
        %swap3A_431 = tpu.vector_load %arg7[%swap3A_429, %swap3A_430] {strides = array<i32>} : memref<32x128xi32, #tpu.memory_space<vmem>>, vector<1x16xi32>,
        %swap3A_432 = vector.shape_cast %swap3A_431 : vector<1x16xi32> to vector<16xi32>
        %swap3A_433 = vector.shape_cast %add3A_424 : vector<16xi32> to vector<1x16xi32>
        tpu.vector_store %arg7[%swap3A_429, %swap3A_430], %swap3A_433 {strides = array<i32>} : memref<32x128xi32, #tpu.memory_space<vmem>>, vector<1x16xi32>,
        %broadcast_in_dim3A_434 = arith.constant 15 : i32
        %broadcast_in_dim3A_435 = vector.broadcast %broadcast_in_dim3A_434 : i32 to vector<16xi32>
        %lt3A_436 = arith.constant 0 : i32
        %lt3A_437 = vector.broadcast %lt3A_436 : i32 to vector<16xi32>
        %lt3A_438 = arith.cmpi slt, %broadcast_in_dim3A_435, %lt3A_437 : vector<16xi32>
        %add3A_439 = arith.constant 16 : i32
        %add3A_440 = vector.broadcast %add3A_439 : i32 to vector<16xi32>
        %add3A_441 = arith.addi %broadcast_in_dim3A_435, %add3A_440 : vector<16xi32>
        %select_n3A_442 = arith.select %lt3A_438, %add3A_441, %broadcast_in_dim3A_435 : vector<16xi1>, vector<16xi32>
        %broadcast_in_dim3A_443 = vector.shape_cast %select_n3A_442 : vector<16xi32> to vector<16x1xi32>
        %gather3A_444 = vector.shape_cast %broadcast_in_dim3A_443 : vector<16x1xi32> to vector<16xi32>
        %gather3A_445 = tpu.dynamic_gather %add3A_107[%gather3A_444] in [0] : vector<16xi32>, vector<16xi32> -> vector<16xi32>
        %add3A_446 = arith.addi %gather3A_445, %mul3A_11 : vector<16xi32>
        %mul3A_447 = arith.constant 2 : i32
        %mul3A_448 = arith.muli %mul3A_447, %scan3A_90 : i32
        %add3A_449 = arith.constant 1 : i32
        %add3A_450 = arith.addi %mul3A_448, %add3A_449 : i32
        %swap3A_451 = arith.index_cast %add3A_450 : i32 to index
        %swap3A_452 = arith.constant 112 : index
        %swap3A_453 = tpu.vector_load %arg7[%swap3A_451, %swap3A_452] {strides = array<i32>} : memref<32x128xi32, #tpu.memory_space<vmem>>, vector<1x16xi32>,
        %swap3A_454 = vector.shape_cast %swap3A_453 : vector<1x16xi32> to vector<16xi32>
        %swap3A_455 = vector.shape_cast %add3A_446 : vector<16xi32> to vector<1x16xi32>
        tpu.vector_store %arg7[%swap3A_451, %swap3A_452], %swap3A_455 {strides = array<i32>} : memref<32x128xi32, #tpu.memory_space<vmem>>, vector<1x16xi32>,
        %scan3A_456 = arith.constant 0 : i32
        scf.yield %scan3A_456 : i32
      }
      %scan3A_51 = arith.constant 16 : i32
      %scan3A_52 = arith.constant 0 : i32
      %scan3A_53 = arith.constant 0 : i32
      %scan3A_54 = arith.constant 32 : i32
      %scan3A_55 = arith.addi %scan3A_53, %scan3A_54 : i32
      %scan3A_56 = arith.constant 1 : i32
      %scan3A_57 = scf.for %scan3A_90 = %scan3A_53 to %scan3A_55 step %scan3A_56 iter_args(%scan3A_91 = %scan3A_52) -> (i32)  : i32 {
        %mul3A_92 = arith.constant 128 : i32
        %mul3A_93 = arith.muli %scan3A_90, %mul3A_92 : i32
        %dma_start3A = tpu.memref_slice %arg9[%mul3A_93] : memref<4096xf32, #tpu.memory_space<vmem>> -> memref<128xf32, #tpu.memory_space<vmem>>
        %dma_start3A_94 = arith.constant 0 : i32
        %dma_start3A_95 = tpu.memref_slice %arg7[%scan3A_90, %dma_start3A_94] : memref<32x128xi32, #tpu.memory_space<vmem>> -> memref<1x128xi32, #tpu.memory_space<vmem>>
        %dma_start3A_96 = tpu.memref_squeeze %dma_start3A_95 : memref<1x128xi32, #tpu.memory_space<vmem>> -> memref<128xi32, #tpu.memory_space<vmem>>
        %dma_start3A_97 = arith.constant 0 : i32
        %dma_start3A_98 = tpu.memref_slice %arg3[%dma_start3A_97] : memref<41600000xf32, #tpu.memory_space<hbm>> -> memref<41600000xf32, #tpu.memory_space<hbm>>
        tpu.enqueue_indirect_dma source(%dma_start3A_98 : memref<41600000xf32, #tpu.memory_space<hbm>>) target(%dma_start3A : memref<128xf32, #tpu.memory_space<vmem>>) offsets(%dma_start3A_96 : memref<128xi32, #tpu.memory_space<vmem>>) semaphore(%arg11 : memref<!tpu.dma_semaphore, #tpu.memory_space<semaphore_mem>>)
        %scan3A_99 = arith.constant 0 : i32
        scf.yield %scan3A_99 : i32
      }
      %scan3A_58 = arith.constant 32 : i32
      %scan3A_59 = arith.constant 0 : i32
      %scan3A_60 = arith.constant 0 : i32
      %scan3A_61 = arith.constant 32 : i32
      %scan3A_62 = arith.addi %scan3A_60, %scan3A_61 : i32
      %scan3A_63 = arith.constant 1 : i32
      %scan3A_64 = scf.for %scan3A_90 = %scan3A_60 to %scan3A_62 step %scan3A_63 iter_args(%scan3A_91 = %scan3A_59) -> (i32)  : i32 {
        %mul3A_92 = arith.constant 128 : i32
        %mul3A_93 = arith.muli %scan3A_90, %mul3A_92 : i32
        %dma_wait3A = tpu.memref_slice %arg8[%mul3A_93] : memref<4096xf32, #tpu.memory_space<vmem>> -> memref<128xf32, #tpu.memory_space<vmem>>
        %dma_wait3A_94 = arith.constant 0 : i32
        %dma_wait3A_95 = tpu.memref_slice %arg6[%scan3A_90, %dma_wait3A_94] : memref<32x128xi32, #tpu.memory_space<vmem>> -> memref<1x128xi32, #tpu.memory_space<vmem>>
        %dma_wait3A_96 = tpu.memref_squeeze %dma_wait3A_95 : memref<1x128xi32, #tpu.memory_space<vmem>> -> memref<128xi32, #tpu.memory_space<vmem>>
        %dma_wait3A_97 = arith.constant 0 : i32
        %dma_wait3A_98 = tpu.memref_slice %arg3[%dma_wait3A_97] : memref<41600000xf32, #tpu.memory_space<hbm>> -> memref<41600000xf32, #tpu.memory_space<hbm>>
        tpu.wait_indirect_dma semaphore(%arg10 : memref<!tpu.dma_semaphore, #tpu.memory_space<semaphore_mem>>) src(%dma_wait3A_98 : memref<41600000xf32, #tpu.memory_space<hbm>>) dst(%dma_wait3A : memref<128xf32, #tpu.memory_space<vmem>>)
        %scan3A_99 = arith.constant 0 : i32
        scf.yield %scan3A_99 : i32
      }
      %scan3A_65 = arith.constant 32 : i32
      %mul3A_66 = arith.constant 256 : i32
      %mul3A_67 = arith.muli %mul3A_39, %mul3A_66 : i32
      %mul3A_68 = arith.constant 16 : i32
      %mul3A_69 = arith.muli %mul3A_67, %mul3A_68 : i32
      %add3A_70 = arith.addi %mul3A_8, %mul3A_69 : i32
      "tpu.region"() ({
        %run_scoped3A = tpu.sem_alloc : memref<!tpu.dma_semaphore, #tpu.memory_space<semaphore_mem>>
        %dma_start3A = tpu.memref_slice %arg4[%add3A_70] : memref<6815744xf32, #tpu.memory_space<hbm>> -> memref<4096xf32, #tpu.memory_space<hbm>>
        %dma_start3A_90 = tpu.memref_slice %arg4[%add3A_70] : memref<6815744xf32, #tpu.memory_space<hbm>> -> memref<4096xf32, #tpu.memory_space<hbm>>
        tpu.enqueue_dma source(%arg8 : memref<4096xf32, #tpu.memory_space<vmem>>) target(%dma_start3A_90 : memref<4096xf32, #tpu.memory_space<hbm>>) target_semaphore(%run_scoped3A : memref<!tpu.dma_semaphore, #tpu.memory_space<semaphore_mem>>)
        %dma_wait3A = tpu.memref_slice %arg4[%add3A_70] : memref<6815744xf32, #tpu.memory_space<hbm>> -> memref<4096xf32, #tpu.memory_space<hbm>>
        %dma_wait3A_91 = tpu.memref_slice %arg4[%add3A_70] : memref<6815744xf32, #tpu.memory_space<hbm>> -> memref<4096xf32, #tpu.memory_space<hbm>>
        tpu.wait_dma2 semaphore(%run_scoped3A : memref<!tpu.dma_semaphore, #tpu.memory_space<semaphore_mem>>) src(%arg8 : memref<4096xf32, #tpu.memory_space<vmem>>) dst(%dma_wait3A_91 : memref<4096xf32, #tpu.memory_space<hbm>>)
        tpu.yield
      }) : () -> ()
      %add3A_71 = arith.constant 1 : i32
      %add3A_72 = arith.addi %scan3A_36, %add3A_71 : i32
      %lt3A = arith.constant 26 : i32
      %lt3A_73 = arith.cmpi slt, %add3A_72, %lt3A : i32
      %convert_element_type3A = arith.extui %lt3A_73 : i1 to i32
      %cond3A = arith.constant 0 : i32
      %cond3A_74 = arith.cmpi ne, %convert_element_type3A, %cond3A : i32
      scf.if %cond3A_74 {
        %add3A_90 = arith.constant 2 : i32
        %add3A_91 = arith.addi %mul3A_39, %add3A_90 : i32
        %add3A_92 = arith.addi %mul3A_2, %add3A_91 : i32
        %mul3A_93 = arith.constant 256 : i32
        %mul3A_94 = arith.muli %add3A_92, %mul3A_93 : i32
        %scan3A_95 = arith.constant 0 : i32
        %scan3A_96 = arith.constant 0 : i32
        %scan3A_97 = arith.constant 16 : i32
        %scan3A_98 = arith.addi %scan3A_96, %scan3A_97 : i32
        %scan3A_99 = arith.constant 1 : i32
        %scan3A_100 = scf.for %scan3A_109 = %scan3A_96 to %scan3A_98 step %scan3A_99 iter_args(%scan3A_110 = %scan3A_95) -> (i32)  : i32 {
          %mul3A_111 = arith.constant 16 : i32
          %mul3A_112 = arith.muli %scan3A_109, %mul3A_111 : i32
          %get3A = arith.index_cast %add3A_91 : i32 to index
          %get3A_113 = arith.index_cast %mul3A_112 : i32 to index
          %get3A_114 = tpu.vector_load %arg5[%get3A, %get3A_113] {strides = array<i32>} : memref<52x256xi32, #tpu.memory_space<vmem>>, vector<1x16xi32>,
          %get3A_115 = vector.shape_cast %get3A_114 : vector<1x16xi32> to vector<16xi32>
          %mul3A_116 = arith.constant 16 : i32
          %mul3A_117 = arith.muli %scan3A_109, %mul3A_116 : i32
          %add3A_118 = arith.addi %mul3A_94, %mul3A_117 : i32
          %add3A_119 = vector.broadcast %add3A_118 : i32 to vector<16xi32>
          %add3A_120 = arith.addi %add3A_119, %iota3A : vector<16xi32>
          %rem3A = arith.constant 26 : i32
          %rem3A_121 = vector.broadcast %rem3A : i32 to vector<16xi32>
          %rem3A_122 = arith.remsi %add3A_120, %rem3A_121 : vector<16xi32>
          %mul3A_123 = arith.constant 1600000 : i32
          %mul3A_124 = vector.broadcast %mul3A_123 : i32 to vector<16xi32>
          %mul3A_125 = arith.muli %rem3A_122, %mul3A_124 : vector<16xi32>
          %add3A_126 = arith.addi %mul3A_125, %get3A_115 : vector<16xi32>
          %broadcast_in_dim3A = arith.constant 0 : i32
          %broadcast_in_dim3A_127 = vector.broadcast %broadcast_in_dim3A : i32 to vector<16xi32>
          %lt3A_128 = arith.constant 0 : i32
          %lt3A_129 = vector.broadcast %lt3A_128 : i32 to vector<16xi32>
          %lt3A_130 = arith.cmpi slt, %broadcast_in_dim3A_127, %lt3A_129 : vector<16xi32>
          %add3A_131 = arith.constant 16 : i32
          %add3A_132 = vector.broadcast %add3A_131 : i32 to vector<16xi32>
          %add3A_133 = arith.addi %broadcast_in_dim3A_127, %add3A_132 : vector<16xi32>
          %select_n3A = arith.select %lt3A_130, %add3A_133, %broadcast_in_dim3A_127 : vector<16xi1>, vector<16xi32>
          %broadcast_in_dim3A_134 = vector.shape_cast %select_n3A : vector<16xi32> to vector<16x1xi32>
          %gather3A = vector.shape_cast %broadcast_in_dim3A_134 : vector<16x1xi32> to vector<16xi32>
          %gather3A_135 = tpu.dynamic_gather %add3A_126[%gather3A] in [0] : vector<16xi32>, vector<16xi32> -> vector<16xi32>
          %add3A_136 = arith.addi %gather3A_135, %mul3A_11 : vector<16xi32>
          %mul3A_137 = arith.constant 2 : i32
          %mul3A_138 = arith.muli %mul3A_137, %scan3A_109 : i32
          %add3A_139 = arith.constant 0 : i32
          %add3A_140 = arith.addi %mul3A_138, %add3A_139 : i32
          %swap3A = arith.index_cast %add3A_140 : i32 to index
          %swap3A_141 = arith.constant 0 : index
          %swap3A_142 = tpu.vector_load %arg6[%swap3A, %swap3A_141] {strides = array<i32>} : memref<32x128xi32, #tpu.memory_space<vmem>>, vector<1x16xi32>,
          %swap3A_143 = vector.shape_cast %swap3A_142 : vector<1x16xi32> to vector<16xi32>
          %swap3A_144 = vector.shape_cast %add3A_136 : vector<16xi32> to vector<1x16xi32>
          tpu.vector_store %arg6[%swap3A, %swap3A_141], %swap3A_144 {strides = array<i32>} : memref<32x128xi32, #tpu.memory_space<vmem>>, vector<1x16xi32>,
          %broadcast_in_dim3A_145 = arith.constant 1 : i32
          %broadcast_in_dim3A_146 = vector.broadcast %broadcast_in_dim3A_145 : i32 to vector<16xi32>
          %lt3A_147 = arith.constant 0 : i32
          %lt3A_148 = vector.broadcast %lt3A_147 : i32 to vector<16xi32>
          %lt3A_149 = arith.cmpi slt, %broadcast_in_dim3A_146, %lt3A_148 : vector<16xi32>
          %add3A_150 = arith.constant 16 : i32
          %add3A_151 = vector.broadcast %add3A_150 : i32 to vector<16xi32>
          %add3A_152 = arith.addi %broadcast_in_dim3A_146, %add3A_151 : vector<16xi32>
          %select_n3A_153 = arith.select %lt3A_149, %add3A_152, %broadcast_in_dim3A_146 : vector<16xi1>, vector<16xi32>
          %broadcast_in_dim3A_154 = vector.shape_cast %select_n3A_153 : vector<16xi32> to vector<16x1xi32>
          %gather3A_155 = vector.shape_cast %broadcast_in_dim3A_154 : vector<16x1xi32> to vector<16xi32>
          %gather3A_156 = tpu.dynamic_gather %add3A_126[%gather3A_155] in [0] : vector<16xi32>, vector<16xi32> -> vector<16xi32>
          %add3A_157 = arith.addi %gather3A_156, %mul3A_11 : vector<16xi32>
          %mul3A_158 = arith.constant 2 : i32
          %mul3A_159 = arith.muli %mul3A_158, %scan3A_109 : i32
          %add3A_160 = arith.constant 0 : i32
          %add3A_161 = arith.addi %mul3A_159, %add3A_160 : i32
          %swap3A_162 = arith.index_cast %add3A_161 : i32 to index
          %swap3A_163 = arith.constant 16 : index
          %swap3A_164 = tpu.vector_load %arg6[%swap3A_162, %swap3A_163] {strides = array<i32>} : memref<32x128xi32, #tpu.memory_space<vmem>>, vector<1x16xi32>,
          %swap3A_165 = vector.shape_cast %swap3A_164 : vector<1x16xi32> to vector<16xi32>
          %swap3A_166 = vector.shape_cast %add3A_157 : vector<16xi32> to vector<1x16xi32>
          tpu.vector_store %arg6[%swap3A_162, %swap3A_163], %swap3A_166 {strides = array<i32>} : memref<32x128xi32, #tpu.memory_space<vmem>>, vector<1x16xi32>,
          %broadcast_in_dim3A_167 = arith.constant 2 : i32
          %broadcast_in_dim3A_168 = vector.broadcast %broadcast_in_dim3A_167 : i32 to vector<16xi32>
          %lt3A_169 = arith.constant 0 : i32
          %lt3A_170 = vector.broadcast %lt3A_169 : i32 to vector<16xi32>
          %lt3A_171 = arith.cmpi slt, %broadcast_in_dim3A_168, %lt3A_170 : vector<16xi32>
          %add3A_172 = arith.constant 16 : i32
          %add3A_173 = vector.broadcast %add3A_172 : i32 to vector<16xi32>
          %add3A_174 = arith.addi %broadcast_in_dim3A_168, %add3A_173 : vector<16xi32>
          %select_n3A_175 = arith.select %lt3A_171, %add3A_174, %broadcast_in_dim3A_168 : vector<16xi1>, vector<16xi32>
          %broadcast_in_dim3A_176 = vector.shape_cast %select_n3A_175 : vector<16xi32> to vector<16x1xi32>
          %gather3A_177 = vector.shape_cast %broadcast_in_dim3A_176 : vector<16x1xi32> to vector<16xi32>
          %gather3A_178 = tpu.dynamic_gather %add3A_126[%gather3A_177] in [0] : vector<16xi32>, vector<16xi32> -> vector<16xi32>
          %add3A_179 = arith.addi %gather3A_178, %mul3A_11 : vector<16xi32>
          %mul3A_180 = arith.constant 2 : i32
          %mul3A_181 = arith.muli %mul3A_180, %scan3A_109 : i32
          %add3A_182 = arith.constant 0 : i32
          %add3A_183 = arith.addi %mul3A_181, %add3A_182 : i32
          %swap3A_184 = arith.index_cast %add3A_183 : i32 to index
          %swap3A_185 = arith.constant 32 : index
          %swap3A_186 = tpu.vector_load %arg6[%swap3A_184, %swap3A_185] {strides = array<i32>} : memref<32x128xi32, #tpu.memory_space<vmem>>, vector<1x16xi32>,
          %swap3A_187 = vector.shape_cast %swap3A_186 : vector<1x16xi32> to vector<16xi32>
          %swap3A_188 = vector.shape_cast %add3A_179 : vector<16xi32> to vector<1x16xi32>
          tpu.vector_store %arg6[%swap3A_184, %swap3A_185], %swap3A_188 {strides = array<i32>} : memref<32x128xi32, #tpu.memory_space<vmem>>, vector<1x16xi32>,
          %broadcast_in_dim3A_189 = arith.constant 3 : i32
          %broadcast_in_dim3A_190 = vector.broadcast %broadcast_in_dim3A_189 : i32 to vector<16xi32>
          %lt3A_191 = arith.constant 0 : i32
          %lt3A_192 = vector.broadcast %lt3A_191 : i32 to vector<16xi32>
          %lt3A_193 = arith.cmpi slt, %broadcast_in_dim3A_190, %lt3A_192 : vector<16xi32>
          %add3A_194 = arith.constant 16 : i32
          %add3A_195 = vector.broadcast %add3A_194 : i32 to vector<16xi32>
          %add3A_196 = arith.addi %broadcast_in_dim3A_190, %add3A_195 : vector<16xi32>
          %select_n3A_197 = arith.select %lt3A_193, %add3A_196, %broadcast_in_dim3A_190 : vector<16xi1>, vector<16xi32>
          %broadcast_in_dim3A_198 = vector.shape_cast %select_n3A_197 : vector<16xi32> to vector<16x1xi32>
          %gather3A_199 = vector.shape_cast %broadcast_in_dim3A_198 : vector<16x1xi32> to vector<16xi32>
          %gather3A_200 = tpu.dynamic_gather %add3A_126[%gather3A_199] in [0] : vector<16xi32>, vector<16xi32> -> vector<16xi32>
          %add3A_201 = arith.addi %gather3A_200, %mul3A_11 : vector<16xi32>
          %mul3A_202 = arith.constant 2 : i32
          %mul3A_203 = arith.muli %mul3A_202, %scan3A_109 : i32
          %add3A_204 = arith.constant 0 : i32
          %add3A_205 = arith.addi %mul3A_203, %add3A_204 : i32
          %swap3A_206 = arith.index_cast %add3A_205 : i32 to index
          %swap3A_207 = arith.constant 48 : index
          %swap3A_208 = tpu.vector_load %arg6[%swap3A_206, %swap3A_207] {strides = array<i32>} : memref<32x128xi32, #tpu.memory_space<vmem>>, vector<1x16xi32>,
          %swap3A_209 = vector.shape_cast %swap3A_208 : vector<1x16xi32> to vector<16xi32>
          %swap3A_210 = vector.shape_cast %add3A_201 : vector<16xi32> to vector<1x16xi32>
          tpu.vector_store %arg6[%swap3A_206, %swap3A_207], %swap3A_210 {strides = array<i32>} : memref<32x128xi32, #tpu.memory_space<vmem>>, vector<1x16xi32>,
          %broadcast_in_dim3A_211 = arith.constant 4 : i32
          %broadcast_in_dim3A_212 = vector.broadcast %broadcast_in_dim3A_211 : i32 to vector<16xi32>
          %lt3A_213 = arith.constant 0 : i32
          %lt3A_214 = vector.broadcast %lt3A_213 : i32 to vector<16xi32>
          %lt3A_215 = arith.cmpi slt, %broadcast_in_dim3A_212, %lt3A_214 : vector<16xi32>
          %add3A_216 = arith.constant 16 : i32
          %add3A_217 = vector.broadcast %add3A_216 : i32 to vector<16xi32>
          %add3A_218 = arith.addi %broadcast_in_dim3A_212, %add3A_217 : vector<16xi32>
          %select_n3A_219 = arith.select %lt3A_215, %add3A_218, %broadcast_in_dim3A_212 : vector<16xi1>, vector<16xi32>
          %broadcast_in_dim3A_220 = vector.shape_cast %select_n3A_219 : vector<16xi32> to vector<16x1xi32>
          %gather3A_221 = vector.shape_cast %broadcast_in_dim3A_220 : vector<16x1xi32> to vector<16xi32>
          %gather3A_222 = tpu.dynamic_gather %add3A_126[%gather3A_221] in [0] : vector<16xi32>, vector<16xi32> -> vector<16xi32>
          %add3A_223 = arith.addi %gather3A_222, %mul3A_11 : vector<16xi32>
          %mul3A_224 = arith.constant 2 : i32
          %mul3A_225 = arith.muli %mul3A_224, %scan3A_109 : i32
          %add3A_226 = arith.constant 0 : i32
          %add3A_227 = arith.addi %mul3A_225, %add3A_226 : i32
          %swap3A_228 = arith.index_cast %add3A_227 : i32 to index
          %swap3A_229 = arith.constant 64 : index
          %swap3A_230 = tpu.vector_load %arg6[%swap3A_228, %swap3A_229] {strides = array<i32>} : memref<32x128xi32, #tpu.memory_space<vmem>>, vector<1x16xi32>,
          %swap3A_231 = vector.shape_cast %swap3A_230 : vector<1x16xi32> to vector<16xi32>
          %swap3A_232 = vector.shape_cast %add3A_223 : vector<16xi32> to vector<1x16xi32>
          tpu.vector_store %arg6[%swap3A_228, %swap3A_229], %swap3A_232 {strides = array<i32>} : memref<32x128xi32, #tpu.memory_space<vmem>>, vector<1x16xi32>,
          %broadcast_in_dim3A_233 = arith.constant 5 : i32
          %broadcast_in_dim3A_234 = vector.broadcast %broadcast_in_dim3A_233 : i32 to vector<16xi32>
          %lt3A_235 = arith.constant 0 : i32
          %lt3A_236 = vector.broadcast %lt3A_235 : i32 to vector<16xi32>
          %lt3A_237 = arith.cmpi slt, %broadcast_in_dim3A_234, %lt3A_236 : vector<16xi32>
          %add3A_238 = arith.constant 16 : i32
          %add3A_239 = vector.broadcast %add3A_238 : i32 to vector<16xi32>
          %add3A_240 = arith.addi %broadcast_in_dim3A_234, %add3A_239 : vector<16xi32>
          %select_n3A_241 = arith.select %lt3A_237, %add3A_240, %broadcast_in_dim3A_234 : vector<16xi1>, vector<16xi32>
          %broadcast_in_dim3A_242 = vector.shape_cast %select_n3A_241 : vector<16xi32> to vector<16x1xi32>
          %gather3A_243 = vector.shape_cast %broadcast_in_dim3A_242 : vector<16x1xi32> to vector<16xi32>
          %gather3A_244 = tpu.dynamic_gather %add3A_126[%gather3A_243] in [0] : vector<16xi32>, vector<16xi32> -> vector<16xi32>
          %add3A_245 = arith.addi %gather3A_244, %mul3A_11 : vector<16xi32>
          %mul3A_246 = arith.constant 2 : i32
          %mul3A_247 = arith.muli %mul3A_246, %scan3A_109 : i32
          %add3A_248 = arith.constant 0 : i32
          %add3A_249 = arith.addi %mul3A_247, %add3A_248 : i32
          %swap3A_250 = arith.index_cast %add3A_249 : i32 to index
          %swap3A_251 = arith.constant 80 : index
          %swap3A_252 = tpu.vector_load %arg6[%swap3A_250, %swap3A_251] {strides = array<i32>} : memref<32x128xi32, #tpu.memory_space<vmem>>, vector<1x16xi32>,
          %swap3A_253 = vector.shape_cast %swap3A_252 : vector<1x16xi32> to vector<16xi32>
          %swap3A_254 = vector.shape_cast %add3A_245 : vector<16xi32> to vector<1x16xi32>
          tpu.vector_store %arg6[%swap3A_250, %swap3A_251], %swap3A_254 {strides = array<i32>} : memref<32x128xi32, #tpu.memory_space<vmem>>, vector<1x16xi32>,
          %broadcast_in_dim3A_255 = arith.constant 6 : i32
          %broadcast_in_dim3A_256 = vector.broadcast %broadcast_in_dim3A_255 : i32 to vector<16xi32>
          %lt3A_257 = arith.constant 0 : i32
          %lt3A_258 = vector.broadcast %lt3A_257 : i32 to vector<16xi32>
          %lt3A_259 = arith.cmpi slt, %broadcast_in_dim3A_256, %lt3A_258 : vector<16xi32>
          %add3A_260 = arith.constant 16 : i32
          %add3A_261 = vector.broadcast %add3A_260 : i32 to vector<16xi32>
          %add3A_262 = arith.addi %broadcast_in_dim3A_256, %add3A_261 : vector<16xi32>
          %select_n3A_263 = arith.select %lt3A_259, %add3A_262, %broadcast_in_dim3A_256 : vector<16xi1>, vector<16xi32>
          %broadcast_in_dim3A_264 = vector.shape_cast %select_n3A_263 : vector<16xi32> to vector<16x1xi32>
          %gather3A_265 = vector.shape_cast %broadcast_in_dim3A_264 : vector<16x1xi32> to vector<16xi32>
          %gather3A_266 = tpu.dynamic_gather %add3A_126[%gather3A_265] in [0] : vector<16xi32>, vector<16xi32> -> vector<16xi32>
          %add3A_267 = arith.addi %gather3A_266, %mul3A_11 : vector<16xi32>
          %mul3A_268 = arith.constant 2 : i32
          %mul3A_269 = arith.muli %mul3A_268, %scan3A_109 : i32
          %add3A_270 = arith.constant 0 : i32
          %add3A_271 = arith.addi %mul3A_269, %add3A_270 : i32
          %swap3A_272 = arith.index_cast %add3A_271 : i32 to index
          %swap3A_273 = arith.constant 96 : index
          %swap3A_274 = tpu.vector_load %arg6[%swap3A_272, %swap3A_273] {strides = array<i32>} : memref<32x128xi32, #tpu.memory_space<vmem>>, vector<1x16xi32>,
          %swap3A_275 = vector.shape_cast %swap3A_274 : vector<1x16xi32> to vector<16xi32>
          %swap3A_276 = vector.shape_cast %add3A_267 : vector<16xi32> to vector<1x16xi32>
          tpu.vector_store %arg6[%swap3A_272, %swap3A_273], %swap3A_276 {strides = array<i32>} : memref<32x128xi32, #tpu.memory_space<vmem>>, vector<1x16xi32>,
          %broadcast_in_dim3A_277 = arith.constant 7 : i32
          %broadcast_in_dim3A_278 = vector.broadcast %broadcast_in_dim3A_277 : i32 to vector<16xi32>
          %lt3A_279 = arith.constant 0 : i32
          %lt3A_280 = vector.broadcast %lt3A_279 : i32 to vector<16xi32>
          %lt3A_281 = arith.cmpi slt, %broadcast_in_dim3A_278, %lt3A_280 : vector<16xi32>
          %add3A_282 = arith.constant 16 : i32
          %add3A_283 = vector.broadcast %add3A_282 : i32 to vector<16xi32>
          %add3A_284 = arith.addi %broadcast_in_dim3A_278, %add3A_283 : vector<16xi32>
          %select_n3A_285 = arith.select %lt3A_281, %add3A_284, %broadcast_in_dim3A_278 : vector<16xi1>, vector<16xi32>
          %broadcast_in_dim3A_286 = vector.shape_cast %select_n3A_285 : vector<16xi32> to vector<16x1xi32>
          %gather3A_287 = vector.shape_cast %broadcast_in_dim3A_286 : vector<16x1xi32> to vector<16xi32>
          %gather3A_288 = tpu.dynamic_gather %add3A_126[%gather3A_287] in [0] : vector<16xi32>, vector<16xi32> -> vector<16xi32>
          %add3A_289 = arith.addi %gather3A_288, %mul3A_11 : vector<16xi32>
          %mul3A_290 = arith.constant 2 : i32
          %mul3A_291 = arith.muli %mul3A_290, %scan3A_109 : i32
          %add3A_292 = arith.constant 0 : i32
          %add3A_293 = arith.addi %mul3A_291, %add3A_292 : i32
          %swap3A_294 = arith.index_cast %add3A_293 : i32 to index
          %swap3A_295 = arith.constant 112 : index
          %swap3A_296 = tpu.vector_load %arg6[%swap3A_294, %swap3A_295] {strides = array<i32>} : memref<32x128xi32, #tpu.memory_space<vmem>>, vector<1x16xi32>,
          %swap3A_297 = vector.shape_cast %swap3A_296 : vector<1x16xi32> to vector<16xi32>
          %swap3A_298 = vector.shape_cast %add3A_289 : vector<16xi32> to vector<1x16xi32>
          tpu.vector_store %arg6[%swap3A_294, %swap3A_295], %swap3A_298 {strides = array<i32>} : memref<32x128xi32, #tpu.memory_space<vmem>>, vector<1x16xi32>,
          %broadcast_in_dim3A_299 = arith.constant 8 : i32
          %broadcast_in_dim3A_300 = vector.broadcast %broadcast_in_dim3A_299 : i32 to vector<16xi32>
          %lt3A_301 = arith.constant 0 : i32
          %lt3A_302 = vector.broadcast %lt3A_301 : i32 to vector<16xi32>
          %lt3A_303 = arith.cmpi slt, %broadcast_in_dim3A_300, %lt3A_302 : vector<16xi32>
          %add3A_304 = arith.constant 16 : i32
          %add3A_305 = vector.broadcast %add3A_304 : i32 to vector<16xi32>
          %add3A_306 = arith.addi %broadcast_in_dim3A_300, %add3A_305 : vector<16xi32>
          %select_n3A_307 = arith.select %lt3A_303, %add3A_306, %broadcast_in_dim3A_300 : vector<16xi1>, vector<16xi32>
          %broadcast_in_dim3A_308 = vector.shape_cast %select_n3A_307 : vector<16xi32> to vector<16x1xi32>
          %gather3A_309 = vector.shape_cast %broadcast_in_dim3A_308 : vector<16x1xi32> to vector<16xi32>
          %gather3A_310 = tpu.dynamic_gather %add3A_126[%gather3A_309] in [0] : vector<16xi32>, vector<16xi32> -> vector<16xi32>
          %add3A_311 = arith.addi %gather3A_310, %mul3A_11 : vector<16xi32>
          %mul3A_312 = arith.constant 2 : i32
          %mul3A_313 = arith.muli %mul3A_312, %scan3A_109 : i32
          %add3A_314 = arith.constant 1 : i32
          %add3A_315 = arith.addi %mul3A_313, %add3A_314 : i32
          %swap3A_316 = arith.index_cast %add3A_315 : i32 to index
          %swap3A_317 = arith.constant 0 : index
          %swap3A_318 = tpu.vector_load %arg6[%swap3A_316, %swap3A_317] {strides = array<i32>} : memref<32x128xi32, #tpu.memory_space<vmem>>, vector<1x16xi32>,
          %swap3A_319 = vector.shape_cast %swap3A_318 : vector<1x16xi32> to vector<16xi32>
          %swap3A_320 = vector.shape_cast %add3A_311 : vector<16xi32> to vector<1x16xi32>
          tpu.vector_store %arg6[%swap3A_316, %swap3A_317], %swap3A_320 {strides = array<i32>} : memref<32x128xi32, #tpu.memory_space<vmem>>, vector<1x16xi32>,
          %broadcast_in_dim3A_321 = arith.constant 9 : i32
          %broadcast_in_dim3A_322 = vector.broadcast %broadcast_in_dim3A_321 : i32 to vector<16xi32>
          %lt3A_323 = arith.constant 0 : i32
          %lt3A_324 = vector.broadcast %lt3A_323 : i32 to vector<16xi32>
          %lt3A_325 = arith.cmpi slt, %broadcast_in_dim3A_322, %lt3A_324 : vector<16xi32>
          %add3A_326 = arith.constant 16 : i32
          %add3A_327 = vector.broadcast %add3A_326 : i32 to vector<16xi32>
          %add3A_328 = arith.addi %broadcast_in_dim3A_322, %add3A_327 : vector<16xi32>
          %select_n3A_329 = arith.select %lt3A_325, %add3A_328, %broadcast_in_dim3A_322 : vector<16xi1>, vector<16xi32>
          %broadcast_in_dim3A_330 = vector.shape_cast %select_n3A_329 : vector<16xi32> to vector<16x1xi32>
          %gather3A_331 = vector.shape_cast %broadcast_in_dim3A_330 : vector<16x1xi32> to vector<16xi32>
          %gather3A_332 = tpu.dynamic_gather %add3A_126[%gather3A_331] in [0] : vector<16xi32>, vector<16xi32> -> vector<16xi32>
          %add3A_333 = arith.addi %gather3A_332, %mul3A_11 : vector<16xi32>
          %mul3A_334 = arith.constant 2 : i32
          %mul3A_335 = arith.muli %mul3A_334, %scan3A_109 : i32
          %add3A_336 = arith.constant 1 : i32
          %add3A_337 = arith.addi %mul3A_335, %add3A_336 : i32
          %swap3A_338 = arith.index_cast %add3A_337 : i32 to index
          %swap3A_339 = arith.constant 16 : index
          %swap3A_340 = tpu.vector_load %arg6[%swap3A_338, %swap3A_339] {strides = array<i32>} : memref<32x128xi32, #tpu.memory_space<vmem>>, vector<1x16xi32>,
          %swap3A_341 = vector.shape_cast %swap3A_340 : vector<1x16xi32> to vector<16xi32>
          %swap3A_342 = vector.shape_cast %add3A_333 : vector<16xi32> to vector<1x16xi32>
          tpu.vector_store %arg6[%swap3A_338, %swap3A_339], %swap3A_342 {strides = array<i32>} : memref<32x128xi32, #tpu.memory_space<vmem>>, vector<1x16xi32>,
          %broadcast_in_dim3A_343 = arith.constant 10 : i32
          %broadcast_in_dim3A_344 = vector.broadcast %broadcast_in_dim3A_343 : i32 to vector<16xi32>
          %lt3A_345 = arith.constant 0 : i32
          %lt3A_346 = vector.broadcast %lt3A_345 : i32 to vector<16xi32>
          %lt3A_347 = arith.cmpi slt, %broadcast_in_dim3A_344, %lt3A_346 : vector<16xi32>
          %add3A_348 = arith.constant 16 : i32
          %add3A_349 = vector.broadcast %add3A_348 : i32 to vector<16xi32>
          %add3A_350 = arith.addi %broadcast_in_dim3A_344, %add3A_349 : vector<16xi32>
          %select_n3A_351 = arith.select %lt3A_347, %add3A_350, %broadcast_in_dim3A_344 : vector<16xi1>, vector<16xi32>
          %broadcast_in_dim3A_352 = vector.shape_cast %select_n3A_351 : vector<16xi32> to vector<16x1xi32>
          %gather3A_353 = vector.shape_cast %broadcast_in_dim3A_352 : vector<16x1xi32> to vector<16xi32>
          %gather3A_354 = tpu.dynamic_gather %add3A_126[%gather3A_353] in [0] : vector<16xi32>, vector<16xi32> -> vector<16xi32>
          %add3A_355 = arith.addi %gather3A_354, %mul3A_11 : vector<16xi32>
          %mul3A_356 = arith.constant 2 : i32
          %mul3A_357 = arith.muli %mul3A_356, %scan3A_109 : i32
          %add3A_358 = arith.constant 1 : i32
          %add3A_359 = arith.addi %mul3A_357, %add3A_358 : i32
          %swap3A_360 = arith.index_cast %add3A_359 : i32 to index
          %swap3A_361 = arith.constant 32 : index
          %swap3A_362 = tpu.vector_load %arg6[%swap3A_360, %swap3A_361] {strides = array<i32>} : memref<32x128xi32, #tpu.memory_space<vmem>>, vector<1x16xi32>,
          %swap3A_363 = vector.shape_cast %swap3A_362 : vector<1x16xi32> to vector<16xi32>
          %swap3A_364 = vector.shape_cast %add3A_355 : vector<16xi32> to vector<1x16xi32>
          tpu.vector_store %arg6[%swap3A_360, %swap3A_361], %swap3A_364 {strides = array<i32>} : memref<32x128xi32, #tpu.memory_space<vmem>>, vector<1x16xi32>,
          %broadcast_in_dim3A_365 = arith.constant 11 : i32
          %broadcast_in_dim3A_366 = vector.broadcast %broadcast_in_dim3A_365 : i32 to vector<16xi32>
          %lt3A_367 = arith.constant 0 : i32
          %lt3A_368 = vector.broadcast %lt3A_367 : i32 to vector<16xi32>
          %lt3A_369 = arith.cmpi slt, %broadcast_in_dim3A_366, %lt3A_368 : vector<16xi32>
          %add3A_370 = arith.constant 16 : i32
          %add3A_371 = vector.broadcast %add3A_370 : i32 to vector<16xi32>
          %add3A_372 = arith.addi %broadcast_in_dim3A_366, %add3A_371 : vector<16xi32>
          %select_n3A_373 = arith.select %lt3A_369, %add3A_372, %broadcast_in_dim3A_366 : vector<16xi1>, vector<16xi32>
          %broadcast_in_dim3A_374 = vector.shape_cast %select_n3A_373 : vector<16xi32> to vector<16x1xi32>
          %gather3A_375 = vector.shape_cast %broadcast_in_dim3A_374 : vector<16x1xi32> to vector<16xi32>
          %gather3A_376 = tpu.dynamic_gather %add3A_126[%gather3A_375] in [0] : vector<16xi32>, vector<16xi32> -> vector<16xi32>
          %add3A_377 = arith.addi %gather3A_376, %mul3A_11 : vector<16xi32>
          %mul3A_378 = arith.constant 2 : i32
          %mul3A_379 = arith.muli %mul3A_378, %scan3A_109 : i32
          %add3A_380 = arith.constant 1 : i32
          %add3A_381 = arith.addi %mul3A_379, %add3A_380 : i32
          %swap3A_382 = arith.index_cast %add3A_381 : i32 to index
          %swap3A_383 = arith.constant 48 : index
          %swap3A_384 = tpu.vector_load %arg6[%swap3A_382, %swap3A_383] {strides = array<i32>} : memref<32x128xi32, #tpu.memory_space<vmem>>, vector<1x16xi32>,
          %swap3A_385 = vector.shape_cast %swap3A_384 : vector<1x16xi32> to vector<16xi32>
          %swap3A_386 = vector.shape_cast %add3A_377 : vector<16xi32> to vector<1x16xi32>
          tpu.vector_store %arg6[%swap3A_382, %swap3A_383], %swap3A_386 {strides = array<i32>} : memref<32x128xi32, #tpu.memory_space<vmem>>, vector<1x16xi32>,
          %broadcast_in_dim3A_387 = arith.constant 12 : i32
          %broadcast_in_dim3A_388 = vector.broadcast %broadcast_in_dim3A_387 : i32 to vector<16xi32>
          %lt3A_389 = arith.constant 0 : i32
          %lt3A_390 = vector.broadcast %lt3A_389 : i32 to vector<16xi32>
          %lt3A_391 = arith.cmpi slt, %broadcast_in_dim3A_388, %lt3A_390 : vector<16xi32>
          %add3A_392 = arith.constant 16 : i32
          %add3A_393 = vector.broadcast %add3A_392 : i32 to vector<16xi32>
          %add3A_394 = arith.addi %broadcast_in_dim3A_388, %add3A_393 : vector<16xi32>
          %select_n3A_395 = arith.select %lt3A_391, %add3A_394, %broadcast_in_dim3A_388 : vector<16xi1>, vector<16xi32>
          %broadcast_in_dim3A_396 = vector.shape_cast %select_n3A_395 : vector<16xi32> to vector<16x1xi32>
          %gather3A_397 = vector.shape_cast %broadcast_in_dim3A_396 : vector<16x1xi32> to vector<16xi32>
          %gather3A_398 = tpu.dynamic_gather %add3A_126[%gather3A_397] in [0] : vector<16xi32>, vector<16xi32> -> vector<16xi32>
          %add3A_399 = arith.addi %gather3A_398, %mul3A_11 : vector<16xi32>
          %mul3A_400 = arith.constant 2 : i32
          %mul3A_401 = arith.muli %mul3A_400, %scan3A_109 : i32
          %add3A_402 = arith.constant 1 : i32
          %add3A_403 = arith.addi %mul3A_401, %add3A_402 : i32
          %swap3A_404 = arith.index_cast %add3A_403 : i32 to index
          %swap3A_405 = arith.constant 64 : index
          %swap3A_406 = tpu.vector_load %arg6[%swap3A_404, %swap3A_405] {strides = array<i32>} : memref<32x128xi32, #tpu.memory_space<vmem>>, vector<1x16xi32>,
          %swap3A_407 = vector.shape_cast %swap3A_406 : vector<1x16xi32> to vector<16xi32>
          %swap3A_408 = vector.shape_cast %add3A_399 : vector<16xi32> to vector<1x16xi32>
          tpu.vector_store %arg6[%swap3A_404, %swap3A_405], %swap3A_408 {strides = array<i32>} : memref<32x128xi32, #tpu.memory_space<vmem>>, vector<1x16xi32>,
          %broadcast_in_dim3A_409 = arith.constant 13 : i32
          %broadcast_in_dim3A_410 = vector.broadcast %broadcast_in_dim3A_409 : i32 to vector<16xi32>
          %lt3A_411 = arith.constant 0 : i32
          %lt3A_412 = vector.broadcast %lt3A_411 : i32 to vector<16xi32>
          %lt3A_413 = arith.cmpi slt, %broadcast_in_dim3A_410, %lt3A_412 : vector<16xi32>
          %add3A_414 = arith.constant 16 : i32
          %add3A_415 = vector.broadcast %add3A_414 : i32 to vector<16xi32>
          %add3A_416 = arith.addi %broadcast_in_dim3A_410, %add3A_415 : vector<16xi32>
          %select_n3A_417 = arith.select %lt3A_413, %add3A_416, %broadcast_in_dim3A_410 : vector<16xi1>, vector<16xi32>
          %broadcast_in_dim3A_418 = vector.shape_cast %select_n3A_417 : vector<16xi32> to vector<16x1xi32>
          %gather3A_419 = vector.shape_cast %broadcast_in_dim3A_418 : vector<16x1xi32> to vector<16xi32>
          %gather3A_420 = tpu.dynamic_gather %add3A_126[%gather3A_419] in [0] : vector<16xi32>, vector<16xi32> -> vector<16xi32>
          %add3A_421 = arith.addi %gather3A_420, %mul3A_11 : vector<16xi32>
          %mul3A_422 = arith.constant 2 : i32
          %mul3A_423 = arith.muli %mul3A_422, %scan3A_109 : i32
          %add3A_424 = arith.constant 1 : i32
          %add3A_425 = arith.addi %mul3A_423, %add3A_424 : i32
          %swap3A_426 = arith.index_cast %add3A_425 : i32 to index
          %swap3A_427 = arith.constant 80 : index
          %swap3A_428 = tpu.vector_load %arg6[%swap3A_426, %swap3A_427] {strides = array<i32>} : memref<32x128xi32, #tpu.memory_space<vmem>>, vector<1x16xi32>,
          %swap3A_429 = vector.shape_cast %swap3A_428 : vector<1x16xi32> to vector<16xi32>
          %swap3A_430 = vector.shape_cast %add3A_421 : vector<16xi32> to vector<1x16xi32>
          tpu.vector_store %arg6[%swap3A_426, %swap3A_427], %swap3A_430 {strides = array<i32>} : memref<32x128xi32, #tpu.memory_space<vmem>>, vector<1x16xi32>,
          %broadcast_in_dim3A_431 = arith.constant 14 : i32
          %broadcast_in_dim3A_432 = vector.broadcast %broadcast_in_dim3A_431 : i32 to vector<16xi32>
          %lt3A_433 = arith.constant 0 : i32
          %lt3A_434 = vector.broadcast %lt3A_433 : i32 to vector<16xi32>
          %lt3A_435 = arith.cmpi slt, %broadcast_in_dim3A_432, %lt3A_434 : vector<16xi32>
          %add3A_436 = arith.constant 16 : i32
          %add3A_437 = vector.broadcast %add3A_436 : i32 to vector<16xi32>
          %add3A_438 = arith.addi %broadcast_in_dim3A_432, %add3A_437 : vector<16xi32>
          %select_n3A_439 = arith.select %lt3A_435, %add3A_438, %broadcast_in_dim3A_432 : vector<16xi1>, vector<16xi32>
          %broadcast_in_dim3A_440 = vector.shape_cast %select_n3A_439 : vector<16xi32> to vector<16x1xi32>
          %gather3A_441 = vector.shape_cast %broadcast_in_dim3A_440 : vector<16x1xi32> to vector<16xi32>
          %gather3A_442 = tpu.dynamic_gather %add3A_126[%gather3A_441] in [0] : vector<16xi32>, vector<16xi32> -> vector<16xi32>
          %add3A_443 = arith.addi %gather3A_442, %mul3A_11 : vector<16xi32>
          %mul3A_444 = arith.constant 2 : i32
          %mul3A_445 = arith.muli %mul3A_444, %scan3A_109 : i32
          %add3A_446 = arith.constant 1 : i32
          %add3A_447 = arith.addi %mul3A_445, %add3A_446 : i32
          %swap3A_448 = arith.index_cast %add3A_447 : i32 to index
          %swap3A_449 = arith.constant 96 : index
          %swap3A_450 = tpu.vector_load %arg6[%swap3A_448, %swap3A_449] {strides = array<i32>} : memref<32x128xi32, #tpu.memory_space<vmem>>, vector<1x16xi32>,
          %swap3A_451 = vector.shape_cast %swap3A_450 : vector<1x16xi32> to vector<16xi32>
          %swap3A_452 = vector.shape_cast %add3A_443 : vector<16xi32> to vector<1x16xi32>
          tpu.vector_store %arg6[%swap3A_448, %swap3A_449], %swap3A_452 {strides = array<i32>} : memref<32x128xi32, #tpu.memory_space<vmem>>, vector<1x16xi32>,
          %broadcast_in_dim3A_453 = arith.constant 15 : i32
          %broadcast_in_dim3A_454 = vector.broadcast %broadcast_in_dim3A_453 : i32 to vector<16xi32>
          %lt3A_455 = arith.constant 0 : i32
          %lt3A_456 = vector.broadcast %lt3A_455 : i32 to vector<16xi32>
          %lt3A_457 = arith.cmpi slt, %broadcast_in_dim3A_454, %lt3A_456 : vector<16xi32>
          %add3A_458 = arith.constant 16 : i32
          %add3A_459 = vector.broadcast %add3A_458 : i32 to vector<16xi32>
          %add3A_460 = arith.addi %broadcast_in_dim3A_454, %add3A_459 : vector<16xi32>
          %select_n3A_461 = arith.select %lt3A_457, %add3A_460, %broadcast_in_dim3A_454 : vector<16xi1>, vector<16xi32>
          %broadcast_in_dim3A_462 = vector.shape_cast %select_n3A_461 : vector<16xi32> to vector<16x1xi32>
          %gather3A_463 = vector.shape_cast %broadcast_in_dim3A_462 : vector<16x1xi32> to vector<16xi32>
          %gather3A_464 = tpu.dynamic_gather %add3A_126[%gather3A_463] in [0] : vector<16xi32>, vector<16xi32> -> vector<16xi32>
          %add3A_465 = arith.addi %gather3A_464, %mul3A_11 : vector<16xi32>
          %mul3A_466 = arith.constant 2 : i32
          %mul3A_467 = arith.muli %mul3A_466, %scan3A_109 : i32
          %add3A_468 = arith.constant 1 : i32
          %add3A_469 = arith.addi %mul3A_467, %add3A_468 : i32
          %swap3A_470 = arith.index_cast %add3A_469 : i32 to index
          %swap3A_471 = arith.constant 112 : index
          %swap3A_472 = tpu.vector_load %arg6[%swap3A_470, %swap3A_471] {strides = array<i32>} : memref<32x128xi32, #tpu.memory_space<vmem>>, vector<1x16xi32>,
          %swap3A_473 = vector.shape_cast %swap3A_472 : vector<1x16xi32> to vector<16xi32>
          %swap3A_474 = vector.shape_cast %add3A_465 : vector<16xi32> to vector<1x16xi32>
          tpu.vector_store %arg6[%swap3A_470, %swap3A_471], %swap3A_474 {strides = array<i32>} : memref<32x128xi32, #tpu.memory_space<vmem>>, vector<1x16xi32>,
          %scan3A_475 = arith.constant 0 : i32
          scf.yield %scan3A_475 : i32
        }
        %scan3A_101 = arith.constant 16 : i32
        %scan3A_102 = arith.constant 0 : i32
        %scan3A_103 = arith.constant 0 : i32
        %scan3A_104 = arith.constant 32 : i32
        %scan3A_105 = arith.addi %scan3A_103, %scan3A_104 : i32
        %scan3A_106 = arith.constant 1 : i32
        %scan3A_107 = scf.for %scan3A_109 = %scan3A_103 to %scan3A_105 step %scan3A_106 iter_args(%scan3A_110 = %scan3A_102) -> (i32)  : i32 {
          %mul3A_111 = arith.constant 128 : i32
          %mul3A_112 = arith.muli %scan3A_109, %mul3A_111 : i32
          %dma_start3A = tpu.memref_slice %arg8[%mul3A_112] : memref<4096xf32, #tpu.memory_space<vmem>> -> memref<128xf32, #tpu.memory_space<vmem>>
          %dma_start3A_113 = arith.constant 0 : i32
          %dma_start3A_114 = tpu.memref_slice %arg6[%scan3A_109, %dma_start3A_113] : memref<32x128xi32, #tpu.memory_space<vmem>> -> memref<1x128xi32, #tpu.memory_space<vmem>>
          %dma_start3A_115 = tpu.memref_squeeze %dma_start3A_114 : memref<1x128xi32, #tpu.memory_space<vmem>> -> memref<128xi32, #tpu.memory_space<vmem>>
          %dma_start3A_116 = arith.constant 0 : i32
          %dma_start3A_117 = tpu.memref_slice %arg3[%dma_start3A_116] : memref<41600000xf32, #tpu.memory_space<hbm>> -> memref<41600000xf32, #tpu.memory_space<hbm>>
          tpu.enqueue_indirect_dma source(%dma_start3A_117 : memref<41600000xf32, #tpu.memory_space<hbm>>) target(%dma_start3A : memref<128xf32, #tpu.memory_space<vmem>>) offsets(%dma_start3A_115 : memref<128xi32, #tpu.memory_space<vmem>>) semaphore(%arg10 : memref<!tpu.dma_semaphore, #tpu.memory_space<semaphore_mem>>)
          %scan3A_118 = arith.constant 0 : i32
          scf.yield %scan3A_118 : i32
        }
        %scan3A_108 = arith.constant 32 : i32
      } else {
      }
      %scan3A_75 = arith.constant 0 : i32
      %scan3A_76 = arith.constant 0 : i32
      %scan3A_77 = arith.constant 32 : i32
      %scan3A_78 = arith.addi %scan3A_76, %scan3A_77 : i32
      %scan3A_79 = arith.constant 1 : i32
      %scan3A_80 = scf.for %scan3A_90 = %scan3A_76 to %scan3A_78 step %scan3A_79 iter_args(%scan3A_91 = %scan3A_75) -> (i32)  : i32 {
        %mul3A_92 = arith.constant 128 : i32
        %mul3A_93 = arith.muli %scan3A_90, %mul3A_92 : i32
        %dma_wait3A = tpu.memref_slice %arg9[%mul3A_93] : memref<4096xf32, #tpu.memory_space<vmem>> -> memref<128xf32, #tpu.memory_space<vmem>>
        %dma_wait3A_94 = arith.constant 0 : i32
        %dma_wait3A_95 = tpu.memref_slice %arg7[%scan3A_90, %dma_wait3A_94] : memref<32x128xi32, #tpu.memory_space<vmem>> -> memref<1x128xi32, #tpu.memory_space<vmem>>
        %dma_wait3A_96 = tpu.memref_squeeze %dma_wait3A_95 : memref<1x128xi32, #tpu.memory_space<vmem>> -> memref<128xi32, #tpu.memory_space<vmem>>
        %dma_wait3A_97 = arith.constant 0 : i32
        %dma_wait3A_98 = tpu.memref_slice %arg3[%dma_wait3A_97] : memref<41600000xf32, #tpu.memory_space<hbm>> -> memref<41600000xf32, #tpu.memory_space<hbm>>
        tpu.wait_indirect_dma semaphore(%arg11 : memref<!tpu.dma_semaphore, #tpu.memory_space<semaphore_mem>>) src(%dma_wait3A_98 : memref<41600000xf32, #tpu.memory_space<hbm>>) dst(%dma_wait3A : memref<128xf32, #tpu.memory_space<vmem>>)
        %scan3A_99 = arith.constant 0 : i32
        scf.yield %scan3A_99 : i32
      }
      %scan3A_81 = arith.constant 32 : i32
      %add3A_82 = arith.constant 1 : i32
      %add3A_83 = arith.addi %mul3A_39, %add3A_82 : i32
      %mul3A_84 = arith.constant 256 : i32
      %mul3A_85 = arith.muli %add3A_83, %mul3A_84 : i32
      %mul3A_86 = arith.constant 16 : i32
      %mul3A_87 = arith.muli %mul3A_85, %mul3A_86 : i32
      %add3A_88 = arith.addi %mul3A_8, %mul3A_87 : i32
      "tpu.region"() ({
        %run_scoped3A = tpu.sem_alloc : memref<!tpu.dma_semaphore, #tpu.memory_space<semaphore_mem>>
        %dma_start3A = tpu.memref_slice %arg4[%add3A_88] : memref<6815744xf32, #tpu.memory_space<hbm>> -> memref<4096xf32, #tpu.memory_space<hbm>>
        %dma_start3A_90 = tpu.memref_slice %arg4[%add3A_88] : memref<6815744xf32, #tpu.memory_space<hbm>> -> memref<4096xf32, #tpu.memory_space<hbm>>
        tpu.enqueue_dma source(%arg9 : memref<4096xf32, #tpu.memory_space<vmem>>) target(%dma_start3A_90 : memref<4096xf32, #tpu.memory_space<hbm>>) target_semaphore(%run_scoped3A : memref<!tpu.dma_semaphore, #tpu.memory_space<semaphore_mem>>)
        %dma_wait3A = tpu.memref_slice %arg4[%add3A_88] : memref<6815744xf32, #tpu.memory_space<hbm>> -> memref<4096xf32, #tpu.memory_space<hbm>>
        %dma_wait3A_91 = tpu.memref_slice %arg4[%add3A_88] : memref<6815744xf32, #tpu.memory_space<hbm>> -> memref<4096xf32, #tpu.memory_space<hbm>>
        tpu.wait_dma2 semaphore(%run_scoped3A : memref<!tpu.dma_semaphore, #tpu.memory_space<semaphore_mem>>) src(%arg9 : memref<4096xf32, #tpu.memory_space<vmem>>) dst(%dma_wait3A_91 : memref<4096xf32, #tpu.memory_space<hbm>>)
        tpu.yield
      }) : () -> ()
      %scan3A_89 = arith.constant 0 : i32
      scf.yield %scan3A_89 : i32
    }
    %scan3A_35 = arith.constant 26 : i32
    return
  }
}

module attributes {stable_mosaic.version = 14 : i64} {
  func.func @body(%arg0: i32, %arg1: memref<2048x13xf32, #tpu.memory_space<vmem>>, %arg2: memref<2048x416xf32, #tpu.memory_space<vmem>>, %arg3: memref<13x64xf32, #tpu.memory_space<vmem>>, %arg4: memref<1x64xf32, #tpu.memory_space<vmem>>, %arg5: memref<64x16xf32, #tpu.memory_space<vmem>>, %arg6: memref<1x16xf32, #tpu.memory_space<vmem>>, %arg7: memref<16x64xf32, #tpu.memory_space<vmem>>, %arg8: memref<416x64xf32, #tpu.memory_space<vmem>>, %arg9: memref<1x64xf32, #tpu.memory_space<vmem>>, %arg10: memref<16x1xf32, #tpu.memory_space<vmem>>, %arg11: memref<64x1xf32, #tpu.memory_space<vmem>>, %arg12: memref<1x1xf32, #tpu.memory_space<vmem>>, %arg13: memref<1x1xf32, #tpu.memory_space<vmem>>, %arg14: memref<2048x1xf32, #tpu.memory_space<vmem>>) attributes {dimension_semantics = [#tpu.dimension_semantics<arbitrary>], iteration_bounds = array<i64: 8>, scalar_prefetch = 0 : i64, scratch_operands = 0 : i64, tpu.core_type = #tpu.core_type<tc>, window_params = [{transform_indices = @transform_0, window_bounds = array<i64: 2048, 13>}, {transform_indices = @transform_1, window_bounds = array<i64: 2048, 416>}, {pipeline_mode = #tpu.pipeline_mode<synchronous>, transform_indices = @transform_2, window_bounds = array<i64: 13, 64>}, {pipeline_mode = #tpu.pipeline_mode<synchronous>, transform_indices = @transform_3, window_bounds = array<i64: 1, 64>}, {pipeline_mode = #tpu.pipeline_mode<synchronous>, transform_indices = @transform_4, window_bounds = array<i64: 64, 16>}, {pipeline_mode = #tpu.pipeline_mode<synchronous>, transform_indices = @transform_5, window_bounds = array<i64: 1, 16>}, {pipeline_mode = #tpu.pipeline_mode<synchronous>, transform_indices = @transform_6, window_bounds = array<i64: 16, 64>}, {pipeline_mode = #tpu.pipeline_mode<synchronous>, transform_indices = @transform_7, window_bounds = array<i64: 416, 64>}, {pipeline_mode = #tpu.pipeline_mode<synchronous>, transform_indices = @transform_8, window_bounds = array<i64: 1, 64>}, {pipeline_mode = #tpu.pipeline_mode<synchronous>, transform_indices = @transform_9, window_bounds = array<i64: 16, 1>}, {pipeline_mode = #tpu.pipeline_mode<synchronous>, transform_indices = @transform_10, window_bounds = array<i64: 64, 1>}, {pipeline_mode = #tpu.pipeline_mode<synchronous>, transform_indices = @transform_11, window_bounds = array<i64: 1, 1>}, {pipeline_mode = #tpu.pipeline_mode<synchronous>, transform_indices = @transform_12, window_bounds = array<i64: 1, 1>}, {transform_indices = @transform_13, window_bounds = array<i64: 2048, 1>}]} {
    %get3A = arith.constant 0 : index
    %get3A_0 = arith.constant 0 : index
    %get3A_1 = vector.load %arg1[%get3A, %get3A_0] : memref<2048x13xf32, #tpu.memory_space<vmem>>, vector<2048x13xf32>
    %get3A_2 = arith.constant 0 : index
    %get3A_3 = arith.constant 0 : index
    %get3A_4 = vector.load %arg3[%get3A_2, %get3A_3] : memref<13x64xf32, #tpu.memory_space<vmem>>, vector<13x64xf32>
    %dot_general3A = arith.constant dense<0.000000e+00> : vector<2048x64xf32>
    %dot_general3A_5 = tpu.matmul %get3A_1, %get3A_4, %dot_general3A {dimension_numbers = #tpu.dot_dimension_numbers<[1], [0], [0], [1], [0, 0, 1, 1], [], []>, transpose_lhs_hint = false} : vector<2048x13xf32>, vector<13x64xf32>, vector<2048x64xf32> -> vector<2048x64xf32>
    %get3A_6 = arith.constant 0 : index
    %get3A_7 = arith.constant 0 : index
    %get3A_8 = vector.load %arg4[%get3A_6, %get3A_7] : memref<1x64xf32, #tpu.memory_space<vmem>>, vector<1x64xf32>
    %add3A = vector.broadcast %get3A_8 : vector<1x64xf32> to vector<2048x64xf32>
    %add3A_9 = arith.addf %dot_general3A_5, %add3A : vector<2048x64xf32>
    %max3A = arith.constant 0.000000e+00 : f32
    %max3A_10 = vector.broadcast %max3A : f32 to vector<2048x64xf32>
    %max3A_11 = arith.maximumf %add3A_9, %max3A_10 : vector<2048x64xf32>
    %get3A_12 = arith.constant 0 : index
    %get3A_13 = arith.constant 0 : index
    %get3A_14 = vector.load %arg5[%get3A_12, %get3A_13] : memref<64x16xf32, #tpu.memory_space<vmem>>, vector<64x16xf32>
    %dot_general3A_15 = arith.constant dense<0.000000e+00> : vector<2048x16xf32>
    %dot_general3A_16 = tpu.matmul %max3A_11, %get3A_14, %dot_general3A_15 {dimension_numbers = #tpu.dot_dimension_numbers<[1], [0], [0], [1], [0, 0, 1, 1], [], []>, transpose_lhs_hint = false} : vector<2048x64xf32>, vector<64x16xf32>, vector<2048x16xf32> -> vector<2048x16xf32>
    %get3A_17 = arith.constant 0 : index
    %get3A_18 = arith.constant 0 : index
    %get3A_19 = vector.load %arg6[%get3A_17, %get3A_18] : memref<1x16xf32, #tpu.memory_space<vmem>>, vector<1x16xf32>
    %add3A_20 = vector.broadcast %get3A_19 : vector<1x16xf32> to vector<2048x16xf32>
    %add3A_21 = arith.addf %dot_general3A_16, %add3A_20 : vector<2048x16xf32>
    %max3A_22 = arith.constant 0.000000e+00 : f32
    %max3A_23 = vector.broadcast %max3A_22 : f32 to vector<2048x16xf32>
    %max3A_24 = arith.maximumf %add3A_21, %max3A_23 : vector<2048x16xf32>
    %get3A_25 = arith.constant 0 : index
    %get3A_26 = arith.constant 0 : index
    %get3A_27 = vector.load %arg2[%get3A_25, %get3A_26] : memref<2048x416xf32, #tpu.memory_space<vmem>>, vector<2048x416xf32>
    %get3A_28 = arith.constant 0 : index
    %get3A_29 = arith.constant 0 : index
    %get3A_30 = vector.load %arg7[%get3A_28, %get3A_29] : memref<16x64xf32, #tpu.memory_space<vmem>>, vector<16x64xf32>
    %dot_general3A_31 = arith.constant dense<0.000000e+00> : vector<2048x64xf32>
    %dot_general3A_32 = tpu.matmul %max3A_24, %get3A_30, %dot_general3A_31 {dimension_numbers = #tpu.dot_dimension_numbers<[1], [0], [0], [1], [0, 0, 1, 1], [], []>, transpose_lhs_hint = false} : vector<2048x16xf32>, vector<16x64xf32>, vector<2048x64xf32> -> vector<2048x64xf32>
    %get3A_33 = arith.constant 0 : index
    %get3A_34 = arith.constant 0 : index
    %get3A_35 = vector.load %arg8[%get3A_33, %get3A_34] : memref<416x64xf32, #tpu.memory_space<vmem>>, vector<416x64xf32>
    %dot_general3A_36 = arith.constant dense<0.000000e+00> : vector<2048x64xf32>
    %dot_general3A_37 = tpu.matmul %get3A_27, %get3A_35, %dot_general3A_36 {dimension_numbers = #tpu.dot_dimension_numbers<[1], [0], [0], [1], [0, 0, 1, 1], [], []>, transpose_lhs_hint = false} : vector<2048x416xf32>, vector<416x64xf32>, vector<2048x64xf32> -> vector<2048x64xf32>
    %add3A_38 = arith.addf %dot_general3A_32, %dot_general3A_37 : vector<2048x64xf32>
    %get3A_39 = arith.constant 0 : index
    %get3A_40 = arith.constant 0 : index
    %get3A_41 = vector.load %arg9[%get3A_39, %get3A_40] : memref<1x64xf32, #tpu.memory_space<vmem>>, vector<1x64xf32>
    %add3A_42 = vector.broadcast %get3A_41 : vector<1x64xf32> to vector<2048x64xf32>
    %add3A_43 = arith.addf %add3A_38, %add3A_42 : vector<2048x64xf32>
    %max3A_44 = arith.constant 0.000000e+00 : f32
    %max3A_45 = vector.broadcast %max3A_44 : f32 to vector<2048x64xf32>
    %max3A_46 = arith.maximumf %add3A_43, %max3A_45 : vector<2048x64xf32>
    %reduce_sum3A = arith.constant dense<0.000000e+00> : vector<2048xf32>
    %reduce_sum3A_47 = vector.multi_reduction <add>, %max3A_24, %reduce_sum3A [1] : vector<2048x16xf32> to vector<2048xf32>
    %broadcast_in_dim3A = vector.shape_cast %reduce_sum3A_47 : vector<2048xf32> to vector<2048x1xf32>
    %reduce_sum3A_48 = arith.constant dense<0.000000e+00> : vector<2048xf32>
    %reduce_sum3A_49 = vector.multi_reduction <add>, %get3A_27, %reduce_sum3A_48 [1] : vector<2048x416xf32> to vector<2048xf32>
    %broadcast_in_dim3A_50 = vector.shape_cast %reduce_sum3A_49 : vector<2048xf32> to vector<2048x1xf32>
    %add3A_51 = arith.addf %broadcast_in_dim3A, %broadcast_in_dim3A_50 : vector<2048x1xf32>
    %mul3A = arith.mulf %max3A_24, %max3A_24 : vector<2048x16xf32>
    %reduce_sum3A_52 = arith.constant dense<0.000000e+00> : vector<2048xf32>
    %reduce_sum3A_53 = vector.multi_reduction <add>, %mul3A, %reduce_sum3A_52 [1] : vector<2048x16xf32> to vector<2048xf32>
    %broadcast_in_dim3A_54 = vector.shape_cast %reduce_sum3A_53 : vector<2048xf32> to vector<2048x1xf32>
    %mul3A_55 = arith.mulf %get3A_27, %get3A_27 : vector<2048x416xf32>
    %reduce_sum3A_56 = arith.constant dense<0.000000e+00> : vector<2048xf32>
    %reduce_sum3A_57 = vector.multi_reduction <add>, %mul3A_55, %reduce_sum3A_56 [1] : vector<2048x416xf32> to vector<2048xf32>
    %broadcast_in_dim3A_58 = vector.shape_cast %reduce_sum3A_57 : vector<2048xf32> to vector<2048x1xf32>
    %add3A_59 = arith.addf %broadcast_in_dim3A_54, %broadcast_in_dim3A_58 : vector<2048x1xf32>
    %mul3A_60 = arith.mulf %add3A_51, %add3A_51 : vector<2048x1xf32>
    %sub3A = arith.subf %mul3A_60, %add3A_59 : vector<2048x1xf32>
    %mul3A_61 = arith.constant 5.000000e-01 : f32
    %mul3A_62 = vector.broadcast %mul3A_61 : f32 to vector<2048x1xf32>
    %mul3A_63 = arith.mulf %mul3A_62, %sub3A : vector<2048x1xf32>
    %get3A_64 = arith.constant 0 : index
    %get3A_65 = arith.constant 0 : index
    %get3A_66 = vector.load %arg10[%get3A_64, %get3A_65] : memref<16x1xf32, #tpu.memory_space<vmem>>, vector<16x1xf32>
    %dot_general3A_67 = arith.constant dense<0.000000e+00> : vector<2048x1xf32>
    %dot_general3A_68 = tpu.matmul %max3A_24, %get3A_66, %dot_general3A_67 {dimension_numbers = #tpu.dot_dimension_numbers<[1], [0], [0], [1], [0, 0, 1, 1], [], []>, transpose_lhs_hint = false} : vector<2048x16xf32>, vector<16x1xf32>, vector<2048x1xf32> -> vector<2048x1xf32>
    %get3A_69 = arith.constant 0 : index
    %get3A_70 = arith.constant 0 : index
    %get3A_71 = vector.load %arg11[%get3A_69, %get3A_70] : memref<64x1xf32, #tpu.memory_space<vmem>>, vector<64x1xf32>
    %dot_general3A_72 = arith.constant dense<0.000000e+00> : vector<2048x1xf32>
    %dot_general3A_73 = tpu.matmul %max3A_46, %get3A_71, %dot_general3A_72 {dimension_numbers = #tpu.dot_dimension_numbers<[1], [0], [0], [1], [0, 0, 1, 1], [], []>, transpose_lhs_hint = false} : vector<2048x64xf32>, vector<64x1xf32>, vector<2048x1xf32> -> vector<2048x1xf32>
    %add3A_74 = arith.addf %dot_general3A_68, %dot_general3A_73 : vector<2048x1xf32>
    %get3A_75 = arith.constant 0 : index
    %get3A_76 = arith.constant 0 : index
    %get3A_77 = vector.load %arg12[%get3A_75, %get3A_76] : memref<1x1xf32, #tpu.memory_space<vmem>>, vector<1x1xf32>
    %mul3A_78 = vector.broadcast %get3A_77 : vector<1x1xf32> to vector<2048x1xf32>
    %mul3A_79 = arith.mulf %mul3A_63, %mul3A_78 : vector<2048x1xf32>
    %add3A_80 = arith.addf %add3A_74, %mul3A_79 : vector<2048x1xf32>
    %get3A_81 = arith.constant 0 : index
    %get3A_82 = arith.constant 0 : index
    %get3A_83 = vector.load %arg13[%get3A_81, %get3A_82] : memref<1x1xf32, #tpu.memory_space<vmem>>, vector<1x1xf32>
    %add3A_84 = vector.broadcast %get3A_83 : vector<1x1xf32> to vector<2048x1xf32>
    %add3A_85 = arith.addf %add3A_80, %add3A_84 : vector<2048x1xf32>
    %swap3A = arith.constant 0 : index
    %swap3A_86 = arith.constant 0 : index
    %swap3A_87 = vector.load %arg14[%swap3A, %swap3A_86] : memref<2048x1xf32, #tpu.memory_space<vmem>>, vector<2048x1xf32>
    tpu.vector_store %arg14[%swap3A, %swap3A_86], %add3A_85 {strides = array<i32>} : memref<2048x1xf32, #tpu.memory_space<vmem>>, vector<2048x1xf32>,
    return
  }
  func.func @transform_0(%arg0: i32) -> (i32, i32) {
    %c0_i32 = arith.constant 0 : i32
    %c0_i32_0 = arith.constant 0 : i32
    return %arg0, %c0_i32 : i32, i32
  }
  func.func @transform_1(%arg0: i32) -> (i32, i32) {
    %c0_i32 = arith.constant 0 : i32
    %c0_i32_0 = arith.constant 0 : i32
    return %arg0, %c0_i32 : i32, i32
  }
  func.func @transform_2(%arg0: i32) -> (i32, i32) {
    %c0_i32 = arith.constant 0 : i32
    %c0_i32_0 = arith.constant 0 : i32
    %c0_i32_1 = arith.constant 0 : i32
    return %c0_i32, %c0_i32_0 : i32, i32
  }
  func.func @transform_3(%arg0: i32) -> (i32, i32) {
    %c0_i32 = arith.constant 0 : i32
    %c0_i32_0 = arith.constant 0 : i32
    %c0_i32_1 = arith.constant 0 : i32
    return %c0_i32, %c0_i32_0 : i32, i32
  }
  func.func @transform_4(%arg0: i32) -> (i32, i32) {
    %c0_i32 = arith.constant 0 : i32
    %c0_i32_0 = arith.constant 0 : i32
    %c0_i32_1 = arith.constant 0 : i32
    return %c0_i32, %c0_i32_0 : i32, i32
  }
  func.func @transform_5(%arg0: i32) -> (i32, i32) {
    %c0_i32 = arith.constant 0 : i32
    %c0_i32_0 = arith.constant 0 : i32
    %c0_i32_1 = arith.constant 0 : i32
    return %c0_i32, %c0_i32_0 : i32, i32
  }
  func.func @transform_6(%arg0: i32) -> (i32, i32) {
    %c0_i32 = arith.constant 0 : i32
    %c0_i32_0 = arith.constant 0 : i32
    %c0_i32_1 = arith.constant 0 : i32
    return %c0_i32, %c0_i32_0 : i32, i32
  }
  func.func @transform_7(%arg0: i32) -> (i32, i32) {
    %c0_i32 = arith.constant 0 : i32
    %c0_i32_0 = arith.constant 0 : i32
    %c0_i32_1 = arith.constant 0 : i32
    return %c0_i32, %c0_i32_0 : i32, i32
  }
  func.func @transform_8(%arg0: i32) -> (i32, i32) {
    %c0_i32 = arith.constant 0 : i32
    %c0_i32_0 = arith.constant 0 : i32
    %c0_i32_1 = arith.constant 0 : i32
    return %c0_i32, %c0_i32_0 : i32, i32
  }
  func.func @transform_9(%arg0: i32) -> (i32, i32) {
    %c0_i32 = arith.constant 0 : i32
    %c0_i32_0 = arith.constant 0 : i32
    %c0_i32_1 = arith.constant 0 : i32
    return %c0_i32, %c0_i32_0 : i32, i32
  }
  func.func @transform_10(%arg0: i32) -> (i32, i32) {
    %c0_i32 = arith.constant 0 : i32
    %c0_i32_0 = arith.constant 0 : i32
    %c0_i32_1 = arith.constant 0 : i32
    return %c0_i32, %c0_i32_0 : i32, i32
  }
  func.func @transform_11(%arg0: i32) -> (i32, i32) {
    %c0_i32 = arith.constant 0 : i32
    %c0_i32_0 = arith.constant 0 : i32
    %c0_i32_1 = arith.constant 0 : i32
    return %c0_i32, %c0_i32_0 : i32, i32
  }
  func.func @transform_12(%arg0: i32) -> (i32, i32) {
    %c0_i32 = arith.constant 0 : i32
    %c0_i32_0 = arith.constant 0 : i32
    %c0_i32_1 = arith.constant 0 : i32
    return %c0_i32, %c0_i32_0 : i32, i32
  }
  func.func @transform_13(%arg0: i32) -> (i32, i32) {
    %c0_i32 = arith.constant 0 : i32
    %c0_i32_0 = arith.constant 0 : i32
    return %arg0, %c0_i32 : i32, i32
  }
}

</mosaic_0001>

<sc_bundles>
// kernel: kernel.4.cloned.1.call-start
scs
__scs_entry_jumppad:
0x0: {  	(pc) =	sbr.rel $0x88, $3  }
0x1: {  	(tag) =	ssettag $0x0;
	lr =	simm.s32 $0x1  }
0x2: {  	[smem:$0x3F96] =	sst lr;
	_ =	strace $0xD0000000  }
0x3: {  	_ = 	snop  }
0x4: {  	_ = 	snop  }
0x5: {  	_ = 	snop  }
0x6: {  	_ = 	snop  }
0x7: {  	_ = 	snop  }
__scs_overlays_trampoline_lowered:
0x8: {  	[smem:$0x3FA5] =	sst s0  }
0x9: {  	[smem:$0x3FA6] =	sst s1  }
0xa: {  	[smem:$0x3FA7] =	sst s2  }
0xb: {  	[smem:$0x3FA8] =	sst s3  }
0xc: {  	[smem:$0x3FA9] =	sst s4  }
0xd: {  	[smem:$0x3FAA] =	sst s5  }
0xe: {  	[smem:$0x3FAB] =	sst s6  }
0xf: {  	[smem:$0x3FAC] =	sst s7  }
0x10: {  	[smem:$0x3FAD] =	sst s8  }
0x11: {  	[smem:$0x3FAE] =	sst s9;
	s0 =	simm.s32 @!p0 $0x0  }
0x12: {  	s1 =	sld [smem:$0x3F94];
	s0 =	simm.s32 @p0 $0x1  }
0x13: {  	[smem:$0x3FAF] =	sst s0;
	s0 =	simm.s32 @!p1 $0x0  }
0x14: {  	s2 =	sld [smem:$0x3F93];
	s0 =	simm.s32 @p1 $0x1  }
0x15: {  	[smem:$0x3FB0] =	sst s0;
	s0 =	simm.s32 @!p2 $0x0  }
0x16: {  	s3 =	sld [smem:$0x3FDB];
	s0 =	simm.s32 @p2 $0x1  }
0x17: {  	s4 =	simm.s32 $0x1BF5;
	[smem:$0x3FB2] =	sst s0  }
0x18: {  	s0 =	sld [smem:$0x3F95];
	_ =	swait.ge [sflag:s4], $0x0  }
0x19: {  	s7 =	sld [smem:$0x3F96]  }
0x1a: {  	s8 =	sadd.s32 $0xFFFFE003, lr  }
0x1b: {  	s9 =	sadd.s32 $0xFFFFFEF7, lr;
	s5 =	simm.s32 $0xFFFFFFFF;
	p2 =	slt.u32 s8, $0xFFFFF086  }
0x1c: {  	p1 =	slt.u32 s9, $0xF7A;
	s5 =	simm.s32 @!p2 $0x0  }
0x1d: {  	s5 =	simm.s32 @p1 $0x1;
	p0 =	seq.s32 s7, s2  }
0x1e: {  	s7 =	smul.u32 @!p0 $0xF7A, s2;
	p2 =	seq.s32 @!p0 s5, $0x0  }
0x1f: {  	s9 =	smul.u32 $0xF7A, s1;
	s8 =	simm.s32 @!p0 $0x1BF5;
	p2 =	por !p2, p0  }
0x20: {  	[sflag:s8] =	ssyncset.s32 @!p0 $0xFFFFF086;
	s6 =	sadd.s32 @!p0 s3, s7;
	s7 =	simm.s32 @!p0 $0x108  }
0x21: {  	s3 =	sadd.s32 s3, s9;
	s6 =	sadd.s32 @!p0 $0x88, s6;
	s7 =	simm.s32 @p2 $0x1082  }
0x22: {  	[simem:s7], [sflag:s8] =	dma.local @!p0 [hbm:s6], $0xF7A  }
0x23: {  	s9 =	sor.u32 $0xD0000000, s2;
	s6 =	simm.s32 $0x108;
	_ =	swait.ge @!p0 [sflag:s8], $0x0  }
0x24: {  	s3 =	sadd.s32 $0x88, s3;
	s6 =	simm.s32 @!p1 $0x1082;
	[sflag:s4] =	ssyncset.s32 $0xFFFFF086  }
0x25: {  	[simem:s6], [sflag:s4] =	dma.local [hbm:s3], $0xF7A  }
0x26: {  	[smem:$0x3F96] =	sst s1;
	(tag) =	ssettag s2;
	_ =	strace s9  }
0x27: {  	s1 =	sld [smem:$0x3FA6]  }
0x28: {  	s2 =	sld [smem:$0x3FA7]  }
0x29: {  	s4 =	sld [smem:$0x3FA9]  }
0x2a: {  	p0 =	seq.s32 s5, $0x0;
	s5 =	sld [smem:$0x3FAA]  }
0x2b: {  	s6 =	sld [smem:$0x3FAB]  }
0x2c: {  	s7 =	sld [smem:$0x3FAC]  }
0x2d: {  	s3 =	simm.s32 $0x108;
	s8 =	sld [smem:$0x3FAD]  }
0x2e: {  	s3 =	simm.s32 @!p0 $0x1082;
	s9 =	sld [smem:$0x3FAE]  }
0x2f: {  	lr =	sadd.s32 s0, s3;
	s0 =	sld [smem:$0x3FA5]  }
0x30: {  	s3 =	sld [smem:$0x3FA8]  }
0x31: {  	[smem:$0x3FB1] =	sst s10  }
0x32: {  	s10 =	sld [smem:$0x3FAF];
	_ =	sdelay $0x3  }
0x33: {  	p0 =	seq.s32 s10, $0x1;
	s10 =	sld [smem:$0x3FB1];
	_ =	sdelay $0x3  }
0x34: {  	[smem:$0x3FB1] =	sst s10  }
0x35: {  	s10 =	sld [smem:$0x3FB0];
	_ =	sdelay $0x3  }
0x36: {  	p1 =	seq.s32 s10, $0x1;
	s10 =	sld [smem:$0x3FB1];
	_ =	sdelay $0x3  }
0x37: {  	[smem:$0x3FB1] =	sst s10  }
0x38: {  	s10 =	sld [smem:$0x3FB2]  }
0x39: {  	_ = 	snop;
	(pc) =	sbr.ind lr, $3  }
0x3a: {  	_ = 	snop  }
0x3b: {  	_ = 	snop  }
0x3c: {  	p2 =	seq.s32 s10, $0x1;
	s10 =	sld [smem:$0x3FB1]  }
0x3d: {  	_ =	shalt  }
0x3e: {  	_ =	shalt  }
0x3f: {  	_ =	shalt  }
0x40: {  	_ =	shalt  }
0x41: {  	_ =	shalt  }
0x42: {  	_ =	shalt  }
0x43: {  	_ =	shalt  }
0x44: {  	_ =	shalt  }
0x45: {  	_ =	shalt  }
0x46: {  	_ =	shalt  }
0x47: {  	_ =	shalt  }
0x48: {  	_ =	shalt  }
0x49: {  	_ =	shalt  }
0x4a: {  	_ =	shalt  }
0x4b: {  	_ =	shalt  }
0x4c: {  	_ =	shalt  }
0x4d: {  	_ =	shalt  }
0x4e: {  	_ =	shalt  }
0x4f: {  	_ =	shalt  }
0x50: {  	_ =	shalt  }
0x51: {  	_ =	shalt  }
0x52: {  	_ =	shalt  }
0x53: {  	_ =	shalt  }
0x54: {  	_ =	shalt  }
0x55: {  	_ =	shalt  }
0x56: {  	_ =	shalt  }
0x57: {  	_ =	shalt  }
0x58: {  	_ =	shalt  }
0x59: {  	_ =	shalt  }
0x5a: {  	_ =	shalt  }
0x5b: {  	_ =	shalt  }
0x5c: {  	_ =	shalt  }
0x5d: {  	_ =	shalt  }
0x5e: {  	_ =	shalt  }
0x5f: {  	_ =	shalt  }
0x60: {  	_ =	shalt  }
0x61: {  	_ =	shalt  }
0x62: {  	_ =	shalt  }
0x63: {  	_ =	shalt  }
0x64: {  	_ =	shalt  }
0x65: {  	_ =	shalt  }
0x66: {  	_ =	shalt  }
0x67: {  	_ =	shalt  }
0x68: {  	_ =	shalt  }
0x69: {  	_ =	shalt  }
0x6a: {  	_ =	shalt  }
0x6b: {  	_ =	shalt  }
0x6c: {  	_ =	shalt  }
0x6d: {  	_ =	shalt  }
0x6e: {  	_ =	shalt  }
0x6f: {  	_ =	shalt  }
0x70: {  	_ =	shalt  }
0x71: {  	_ =	shalt  }
0x72: {  	_ =	shalt  }
0x73: {  	_ =	shalt  }
0x74: {  	_ =	shalt  }
0x75: {  	_ =	shalt  }
0x76: {  	_ =	shalt  }
0x77: {  	_ =	shalt  }
0x78: {  	_ =	shalt  }
0x79: {  	_ =	shalt  }
0x7a: {  	_ =	shalt  }
0x7b: {  	_ =	shalt  }
0x7c: {  	_ =	shalt  }
0x7d: {  	_ =	shalt  }
0x7e: {  	_ =	shalt  }
0x7f: {  	_ =	shalt  }
0x80: {  	_ =	shalt  }
0x81: {  	_ =	shalt  }
0x82: {  	_ =	shalt  }
0x83: {  	_ =	shalt  }
0x84: {  	_ =	shalt  }
0x85: {  	_ =	shalt  }
0x86: {  	_ =	shalt  }
0x87: {  	_ =	shalt  }
.Lfunc_end0:
.L_simem_size_0:
called_computation_lowered:
.L_overlay_start_0:
0x88: {  	s2 =	sld [smem:$0x3FD9]  }
0x89: {  	s3 =	sld [smem:$0x3FFE];
	_ =	sdelay $0x1  }
0x8a: {  	s1 =	srdreg.scid  }
0x8b: {  	s0 =	sand.u32 $0x1, s1  }
0x8c: {  	s16 =	sshll.u32 s0, $0xA;
	s2 =	sadd.s32 s3, s2  }
0x8d: {  	s2 =	sadd.s32 s2, s16  }
0x8e: {  	[smem:$0x3FBD] =	sst s2  }
0x8f: {  	_ = 	snop  }
0x90: {  	(tm) =	ssettm $0x1  }
0x91: {  	s17 =	sld [smem:$0x3FFB];
	_ =	sdelay $0x3  }
0x92: {  	_ =	strace s17  }
0x93: {  	s2 =	sld [smem:$0x3FFC];
	_ =	sdelay $0x3  }
0x94: {  	_ =	strace s2  }
0x95: {  	s2 =	sld [smem:$0x3FFD];
	_ =	sdelay $0x3  }
0x96: {  	_ =	strace s2  }
0x97: {  	_ =	strace $0x8FFFFFFF  }
0x98: {  	s18 =	sld [smem:$0x3FDB];
	_ =	sdelay $0x1  }
0x99: {  	s19 =	simm.s32 $_scs_section_size  }
0x9a: {  	s4 =	simm.s32 $_size__tile_overlayer_lowered;
	s5 =	simm.s32 $_tile_overlayer_lowered  }
0x9b: {  	s22 =	simm.s32 $0x1BFF;
	s21 =	sshll.u32 s5, $0x1;
	s2 =	sadd.s32 s19, s18  }
0x9c: {  	s6 =	simm.s32 $0x0;
	s20 =	sshll.u32 s4, $0x1;
	s4 =	sadd.s32 s21, s2  }
0x9d: {  	[timem:s6], [sflag:s22] =	dma.local [hbm:s4], s20  }
0x9e: {  	_ =	swait.ge [sflag:s22], s20  }
0x9f: {  	s3 =	ssub.s32 $0x0, s20;
	[sflag:s22] =	ssyncset.done $0x0  }
0xa0: {  	[sflag:s22] =	ssyncadd.s32 s3;
	_ =	sdelay $0x1  }
0xa1: {  	s23 =	simm.s32 $0x1B8B  }
0xa2: {  	_ =	swait.ge [sflag:s23], $0x1  }
0xa3: {  	[sflag:s23] =	ssyncset.done $0x0  }
0xa4: {  	s25 =	simm.s32 $0x1B8E;
	s24 =	sld [smem:$0x3FFE];
	[sflag:s23] =	ssyncadd.s32 $0xFFFFFFFF  }
0xa5: {  	s26 =	simm.s32 $execute0_lowered;
	[smem:$0x3FD2] =	sst s25  }
0xa6: {  	s4 =	sshll.u32 s26, $0x1;
	_ =	strace $0x80000046;
	[dreg:$0x1] =	wrdreg $0xFFFFFFFF  }
0xa7: {  	s28 =	simm.s32 $_size_execute0_lowered;
	s2 =	sadd.s32 s2, s4;
	[dreg:$0x0] =	wrdreg $0x0  }
0xa8: {  	s4 =	sshll.u32 s28, $0x1;
	[dreg:$0x2] =	wrdreg s2  }
0xa9: {  	[dreg:$0x3] =	wrdreg s4  }
0xaa: {  	[dreg:$0x4] =	wrdreg $0xC0  }
0xab: {  	_ =	task [dreg:s6], $0x5FFFF  }
0xac: {  	[dreg:$0x1] =	wrdreg $0xFFFFFFFF  }
0xad: {  	[dreg:$0x0] =	wrdreg $0x60  }
0xae: {  	[dreg:$0x2] =	wrdreg s24  }
0xaf: {  	[dreg:$0x3] =	wrdreg $0x9  }
0xb0: {  	_ =	task.clear_ibuf [dreg:s6], $0x4FFFF;
	_ =	strace $0x90000046  }
0xb1: {  	s29 =	simm.s32 $0x9;
	_ =	strace $0x80000048  }
0xb2: {  	_ =	swait.ge [sflag:s29], $0x1  }
0xb3: {  	[sflag:s29] =	ssyncadd.s32 $0xFFFFFFFF  }
0xb4: {  	_ =	strace $0x90000048  }
0xb5: {  	_ =	sfence  }
0xb6: {  	s30 =	sld [smem:$0x0];
	_ =	sdelay $0x2  }
0xb7: {  	s31 =	sshll.u32 s1, $0xD;
	s1 =	sshrl.u32 s1, $0x2  }
0xb8: {  	s3 =	sand.u32 $0x4000, s31;
	s1 =	sadd.s32 s1, s30  }
0xb9: {  	s0 =	sor.u32 s3, s0;
	s1 =	sshll.u32 s1, $0x11  }
0xba: {  	s0 =	sor.u32 s1, s0  }
0xbb: {  	s0 =	sadd.s32 $0x8F2B, s0  }
0xbc: {  	[sflag:s0] =	ssyncadd.remote.s32 $0x1  }
0xbd: {  	_ =	sfence.sel $0xFFFF  }
0xbe: {  	[dreg:$0x0] =	wrdreg $0xFFFFFFFF;
	(pc) =	sbr.abs _section_cstart, $3  }
0xbf: {  	[dreg:$0x1] =	wrdreg $0xFFFFFFFF  }
0xc0: {  	_ =	task.clear_ibuf [dreg:s6], $0x2FFFF;
	_ =	strace $0x9FFFFFFF  }
0xc1: {  	(tm) =	ssettm $0x7FFFFFFF  }
tec
execute0_lowered:
.L_overlay_start_1:
0x0: {  	(tag) =	ssettag $0x1  }
0x1: {  	s1 =	srdreg.scid  }
0x2: {  	s0 =	stileid.u32;
	s4 =	rddreg [dreg:$0x0];
	s2 =	simm.s32 $0x0  }
0x3: {  	s13 =	simm.s32 $0x1;
	s14 =	simm.s32 $0x5400;
	s8 =	smul.u32 $0x6800, s0  }
0x4: {  	s15 =	simm.s32 $0x2;
	s5 =	sand.u32 $0x1, s1;
	s10 =	smul.u32 $0x68, s0  }
0x5: {  	s16 =	simm.s32 $0x6400;
	s3 =	sshll.u32 s0, $0x1;
	s12 =	smul.u32 $0x34, s5  }
0x6: {  	s17 =	simm.s32 $0x0;
	s6 =	sor.u32 s5, s3;
	s31 =	smul.u32 $0x3400, s5  }
0x7: {  	s1 =	rddreg [dreg:$0x1];
	s9 =	ssub.s32 $0x2, s5;
	s3 =	smul.u32 $0x680, s6  }
0x8: {  	v0 =	vlaneseq.u32;
	v1 =	vimm.s32 $0x0;
	v3 =	vimm.s32 $0x1;
	[smem:$0x7FF] =	sst s2;
	s11 =	sshrl.u32 s9, $0x1;
	s5 =	smul.u32 $0x34000, s6  }
.Ltmp0:
0x9: {  	v4 =	vimm.s32 $0x2;
	v5 =	vimm.s32 $0x3;
	v6 =	vimm.s32 $0x4;
	_ =	strace $0x80000047;
	s9 =	ssub.s32 s9, s11;
	(pc) =	sbr.rel .LBB2_1-.Ltmp0, $4  }
0xa: {  	v7 =	vimm.s32 $0x5;
	v8 =	vimm.s32 $0x6;
	v9 =	vimm.s32 $0x7;
	s10 =	sadd.s32 s12, s10;
	s8 =	sadd.s32 s31, s8;
	s11 =	simm.s32 $0x3  }
0xb: {  	v11 =	vimm.s32 $0x9;
	v12 =	vimm.s32 $0xA;
	v13 =	vimm.s32 $0xB;
	s12 =	simm.s32 $0x80;
	s7 =	sadd.s32 s3, s4;
	s3 =	sadd.s32 $0x1A00, s4  }
0xc: {  	v10 =	vimm.s32 $0x8;
	v14 =	vimm.s32 $0xC;
	v15 =	vimm.s32 $0xD;
	s4 =	sadd.s32 $0x504400, s4;
	s10 =	sshll.u32 s10, $0x8;
	s6 =	sadd.s32 $0x4F7400, s7  }
0xd: {  	v16 =	vimm.s32 $0xE;
	v17 =	vimm.s32 $0xF;
	v2 =	vmul.u32 $0x186A0, v0;
	s7 =	smax.u32 s9, $0x1;
	s9 =	sor.u32 $0x100, s10;
	s10 =	sor.u32 $0x200, s10  }
.LBB2_17:
0xe: {  	s17 =	sadd.s32 $0x1, s17  }
0xf: {  	p0 =	sne.s32 s17, s7  }
.Ltmp1:
0x10: {  	_ = 	snop;
	(pc) =	sbr.rel @!p0 .LBB2_18-.Ltmp1, $1  }
0x11: {  	_ =	sdelay $0x3  }
.LBB2_1:
0x12: {  	[tilespmem:s2], [sflag:$0x3] =	stream.linear.gather [hbm4b:s6+s2], $0x3400, $0x38;
	v18 =	vor.u32 s8, v0;
	[tilespmem:$0x7400] =	vst v63  }
0x13: {  	_ =	swait.ge [sflag:s11], $0x3400;
	v19 =	vmulhi.u32 $0x4EC4EC4F, v18  }
0x14: {  	[sflag:s11] =	ssyncset.done $0x0  }
0x15: {  	s18 =	simm.s32 $0x0;
	[sflag:s11] =	ssyncadd.s32 $0xFFFFCC00;
	v19 =	vshrl.u32 v19, $0x3  }
0x16: {  	v20 =	vld [tilespmem:s18+$0x0];
	v19 =	vmul.u32 $0x1A, v19;
	_ =	sdelay $0x1  }
0x17: {  	v18 =	vsub.s32 v18, v19  }
0x18: {  	v18 =	vmul.u32 $0x186A00, v18;
	_ =	sdelay $0x1  }
0x19: {  	v18 =	vadd.s32 v18, v20  }
0x1a: {  	v19 =	vperm.xlane v18, v1  }
0x1b: {  	v20 =	vperm.xlane v18, v3  }
0x1c: {  	s18 =	simm.s32 $0x3480;
	v21 =	vperm.xlane v18, v4;
	v19 =	vadd.s32 v2, v19  }
0x1d: {  	v22 =	vperm.xlane v18, v5;
	v20 =	vadd.s32 v2, v20;
	[tilespmem:s18+$0xFFFFFF80] =	vst v19  }
0x1e: {  	v21 =	vadd.s32 v2, v21;
	v19 =	vperm.xlane v18, v6;
	[tilespmem:s18+$0xFFFFFF90] =	vst v20  }
0x1f: {  	v20 =	vadd.s32 v2, v22;
	v22 =	vperm.xlane v18, v7;
	[tilespmem:s18+$0xFFFFFFA0] =	vst v21  }
0x20: {  	v21 =	vperm.xlane v18, v8;
	[tilespmem:s18+$0xFFFFFFB0] =	vst v20;
	v19 =	vadd.s32 v2, v19  }
0x21: {  	v20 =	vperm.xlane v18, v9;
	v22 =	vadd.s32 v2, v22;
	[tilespmem:s18+$0xFFFFFFC0] =	vst v19  }
0x22: {  	v21 =	vadd.s32 v2, v21;
	v19 =	vperm.xlane v18, v10;
	[tilespmem:s18+$0xFFFFFFD0] =	vst v22  }
0x23: {  	v22 =	vperm.xlane v18, v11;
	v20 =	vadd.s32 v2, v20;
	[tilespmem:s18+$0xFFFFFFE0] =	vst v21  }
0x24: {  	v21 =	vperm.xlane v18, v12;
	[tilespmem:s18+$0xFFFFFFF0] =	vst v20;
	v19 =	vadd.s32 v2, v19  }
0x25: {  	v20 =	vadd.s32 v2, v22;
	v22 =	vperm.xlane v18, v13;
	[tilespmem:s18+$0x0] =	vst v19  }
0x26: {  	v23 =	vperm.xlane v18, v15;
	v19 =	vadd.s32 v2, v21;
	v21 =	vperm.xlane v18, v14;
	[tilespmem:s18+$0x10] =	vst v20  }
0x27: {  	v24 =	vperm.xlane v18, v16;
	v18 =	vperm.xlane v18, v17;
	v22 =	vadd.s32 v2, v22;
	[tilespmem:s18+$0x20] =	vst v19  }
0x28: {  	s20 =	sadd.s32 $0x10, s8;
	v20 =	vadd.s32 v2, v23;
	v25 =	vadd.s32 v2, v21;
	[tilespmem:s18+$0x30] =	vst v22  }
0x29: {  	s19 =	simm.s32 $0x40;
	s21 =	simm.s32 $0x80;
	v21 =	vadd.s32 v2, v24;
	v19 =	vadd.s32 v2, v18;
	v18 =	vor.u32 s20, v0;
	[tilespmem:s18+$0x40] =	vst v25  }
.LBB2_2:
0x2a: {  	p0 =	sne.s32 s21, $0x3C0;
	v22 =	vmulhi.u32 $0x4EC4EC4F, v18;
	[tilespmem:s18+$0x50] =	vst v20  }
0x2b: {  	[tilespmem:s18+$0x60] =	vst v21  }
0x2c: {  	s22 =	sshra.s32 s19, $0x2;
	s19 =	smov.u32 s21;
	v20 =	vshrl.u32 v22, $0x3;
	[tilespmem:s18+$0x70] =	vst v19  }
0x2d: {  	v19 =	vld [tilespmem:s22+$0x0];
	v20 =	vmul.u32 $0x1A, v20;
	_ =	sdelay $0x1  }
0x2e: {  	v18 =	vsub.s32 v18, v20  }
0x2f: {  	v18 =	vmul.u32 $0x186A00, v18;
	_ =	sdelay $0x1  }
0x30: {  	v18 =	vadd.s32 v18, v19  }
0x31: {  	v19 =	vperm.xlane v18, v1;
	v20 =	vperm.xlane v18, v3  }
0x32: {  	v21 =	vperm.xlane v18, v4;
	v22 =	vperm.xlane v18, v5  }
0x33: {  	s18 =	sadd.s32 $0x100, s18;
	v23 =	vperm.xlane v18, v6;
	v19 =	vadd.s32 v2, v19;
	v20 =	vadd.s32 v2, v20  }
0x34: {  	[tilespmem:s18+$0xFFFFFF80] =	vst v19;
	v19 =	vadd.s32 v2, v21;
	v21 =	vadd.s32 v2, v22;
	v22 =	vperm.xlane v18, v7  }
0x35: {  	v24 =	vperm.xlane v18, v9;
	[tilespmem:s18+$0xFFFFFF90] =	vst v20;
	v20 =	vadd.s32 v2, v23;
	v23 =	vperm.xlane v18, v8  }
0x36: {  	v25 =	vperm.xlane v18, v11;
	[tilespmem:s18+$0xFFFFFFA0] =	vst v19;
	v19 =	vadd.s32 v2, v22;
	v22 =	vperm.xlane v18, v10  }
0x37: {  	[tilespmem:s18+$0xFFFFFFB0] =	vst v21;
	v21 =	vadd.s32 v2, v23;
	v23 =	vadd.s32 v2, v24;
	v24 =	vperm.xlane v18, v12  }
0x38: {  	v25 =	vadd.s32 v2, v25;
	[tilespmem:s18+$0xFFFFFFC0] =	vst v20;
	v22 =	vadd.s32 v2, v22;
	v20 =	vperm.xlane v18, v13  }
0x39: {  	v26 =	vperm.xlane v18, v15;
	[tilespmem:s18+$0xFFFFFFD0] =	vst v19;
	v24 =	vadd.s32 v2, v24;
	v19 =	vperm.xlane v18, v14  }
0x3a: {  	[tilespmem:s18+$0xFFFFFFE0] =	vst v21;
	v27 =	vadd.s32 v2, v20;
	v21 =	vperm.xlane v18, v16;
	v18 =	vperm.xlane v18, v17  }
0x3b: {  	v20 =	vadd.s32 v2, v26;
	[tilespmem:s18+$0xFFFFFFF0] =	vst v23;
	v23 =	vadd.s32 v2, v19  }
.Ltmp2:
0x3c: {  	[tilespmem:s18+$0x0] =	vst v22;
	v21 =	vadd.s32 v2, v21;
	v19 =	vadd.s32 v2, v18;
	(pc) =	sbr.rel @p0 .LBB2_2-.Ltmp2, $4  }
0x3d: {  	[tilespmem:s18+$0x10] =	vst v25  }
0x3e: {  	[tilespmem:s18+$0x20] =	vst v24  }
0x3f: {  	s20 =	sadd.s32 $0x10, s20;
	[tilespmem:s18+$0x30] =	vst v27  }
0x40: {  	s21 =	sadd.s32 $0x40, s21;
	v18 =	vor.u32 s20, v0;
	[tilespmem:s18+$0x40] =	vst v23  }
0x41: {  	v22 =	vmulhi.u32 $0x4EC4EC4F, v18;
	[tilespmem:s18+$0x50] =	vst v20  }
0x42: {  	[tilespmem:s18+$0x60] =	vst v21  }
0x43: {  	s19 =	sshra.s32 s19, $0x2;
	[tilespmem:s18+$0x70] =	vst v19;
	v50 =	vshrl.u32 v22, $0x3  }
0x44: {  	v19 =	vld [tilespmem:s19+$0x0];
	v20 =	vmul.u32 $0x1A, v50;
	_ =	sdelay $0x1  }
0x45: {  	v18 =	vsub.s32 v18, v20  }
0x46: {  	v18 =	vmul.u32 $0x186A00, v18;
	_ =	sdelay $0x1  }
0x47: {  	v18 =	vadd.s32 v18, v19  }
0x48: {  	v19 =	vperm.xlane v18, v1  }
0x49: {  	v51 =	vperm.xlane v18, v3  }
0x4a: {  	s31 =	sadd.s32 $0x100, s18;
	v52 =	vperm.xlane v18, v4;
	v19 =	vadd.s32 v2, v19  }
0x4b: {  	v53 =	vperm.xlane v18, v5;
	v20 =	vadd.s32 v2, v51;
	[tilespmem:s31+$0xFFFFFF80] =	vst v19  }
0x4c: {  	v55 =	vperm.xlane v18, v7;
	v21 =	vadd.s32 v2, v52;
	[tilespmem:s31+$0xFFFFFF90] =	vst v20  }
0x4d: {  	v58 =	vperm.xlane v18, v11;
	v54 =	vadd.s32 v2, v53;
	[tilespmem:s31+$0xFFFFFFA0] =	vst v21  }
0x4e: {  	v56 =	vperm.xlane v18, v8;
	v22 =	vadd.s32 v2, v55;
	[tilespmem:s31+$0xFFFFFFB0] =	vst v54  }
0x4f: {  	v60 =	vadd.s32 v2, v58;
	v19 =	vperm.xlane v18, v6;
	[tilespmem:s31+$0xFFFFFFD0] =	vst v22  }
0x50: {  	v57 =	vperm.xlane v18, v9;
	v21 =	vadd.s32 v2, v56;
	[tilespmem:s31+$0x10] =	vst v60  }
0x51: {  	v61 =	vperm.xlane v18, v13;
	[tilespmem:s31+$0xFFFFFFE0] =	vst v21;
	v19 =	vadd.s32 v2, v19  }
0x52: {  	v20 =	vadd.s32 v2, v57;
	[tilespmem:s31+$0xFFFFFFC0] =	vst v19;
	v19 =	vperm.xlane v18, v10  }
0x53: {  	v59 =	vperm.xlane v18, v12;
	v22 =	vadd.s32 v2, v61;
	[tilespmem:s31+$0xFFFFFFF0] =	vst v20  }
0x54: {  	v62 =	vperm.xlane v18, v14;
	[tilespmem:s31+$0x30] =	vst v22;
	v19 =	vadd.s32 v2, v19  }
0x55: {  	v63 =	vperm.xlane v18, v15;
	[tilespmem:s31+$0x0] =	vst v19;
	v19 =	vadd.s32 v2, v59  }
0x56: {  	v21 =	vadd.s32 v2, v62;
	[tilespmem:s31+$0x20] =	vst v19;
	v19 =	vperm.xlane v18, v16  }
0x57: {  	v20 =	vadd.s32 v2, v63;
	[tilespmem:s31+$0x40] =	vst v21;
	v18 =	vperm.xlane v18, v17  }
0x58: {  	[tilespmem:s31+$0x50] =	vst v20;
	v19 =	vadd.s32 v2, v19  }
0x59: {  	v18 =	vadd.s32 v2, v18;
	[tilespmem:s31+$0x60] =	vst v19  }
0x5a: {  	s18 =	simm.s32 $0x0;
	s19 =	simm.s32 $0x0;
	[tilespmem:s31+$0x70] =	vst v18  }
.LBB2_4:
0x5b: {  	p0 =	sne.s32 s19, $0x3E00  }
.Ltmp3:
0x5c: {  	_ = 	snop;
	(pc) =	sbr.rel @p0 .LBB2_4-.Ltmp3, $4  }
0x5d: {  	_ = 	snop  }
0x5e: {  	s20 =	sshra.s32 s19, $0x2  }
0x5f: {  	s19 =	sadd.s32 $0x200, s19;
	s21 =	sadd.s32 $0x5400, s20;
	s20 =	sadd.s32 $0x3400, s20  }
0x60: {  	[tilespmem:s21], [sflag:$0x1] =	stream.indirect.gather [hbm4b:s3+s12], $0x1, s20, s12, $0xb8;
	[tilespmem:$0x7400] =	vst v63  }
.Ltmp4:
0x61: {  	(pc) =	sbr.rel .LBB2_6-.Ltmp4, $3  }
0x62: {  	_ =	sdelay $0x1  }
0x63: {  	s19 =	simm.s32 $0x100  }
0x64: {  	s20 =	simm.s32 $0x200;
	s21 =	smov.u32 s10;
	s22 =	smov.u32 s9  }
.LBB2_16:
0x65: {  	_ =	swait.ge [sflag:s15], $0x80  }
0x66: {  	[sflag:s15] =	ssyncset.done $0x0  }
0x67: {  	[sflag:s15] =	ssyncadd.s32 $0xFFFFFF80  }
0x68: {  	_ =	swait.ge [sflag:s15], $0x80  }
0x69: {  	[sflag:s15] =	ssyncset.done $0x0  }
0x6a: {  	[sflag:s15] =	ssyncadd.s32 $0xFFFFFF80  }
0x6b: {  	_ =	swait.ge [sflag:s15], $0x80  }
0x6c: {  	[sflag:s15] =	ssyncset.done $0x0  }
0x6d: {  	[sflag:s15] =	ssyncadd.s32 $0xFFFFFF80  }
0x6e: {  	_ =	swait.ge [sflag:s15], $0x80  }
0x6f: {  	[sflag:s15] =	ssyncset.done $0x0  }
0x70: {  	[sflag:s15] =	ssyncadd.s32 $0xFFFFFF80  }
0x71: {  	_ =	swait.ge [sflag:s15], $0x80  }
0x72: {  	[sflag:s15] =	ssyncset.done $0x0  }
0x73: {  	[sflag:s15] =	ssyncadd.s32 $0xFFFFFF80  }
0x74: {  	_ =	swait.ge [sflag:s15], $0x80  }
0x75: {  	[sflag:s15] =	ssyncset.done $0x0  }
0x76: {  	[sflag:s15] =	ssyncadd.s32 $0xFFFFFF80  }
0x77: {  	_ =	swait.ge [sflag:s15], $0x80  }
0x78: {  	[sflag:s15] =	ssyncset.done $0x0  }
0x79: {  	[sflag:s15] =	ssyncadd.s32 $0xFFFFFF80  }
0x7a: {  	_ =	swait.ge [sflag:s15], $0x80  }
0x7b: {  	[sflag:s15] =	ssyncset.done $0x0  }
0x7c: {  	[sflag:s15] =	ssyncadd.s32 $0xFFFFFF80  }
0x7d: {  	_ =	swait.ge [sflag:s15], $0x80  }
0x7e: {  	[sflag:s15] =	ssyncset.done $0x0  }
0x7f: {  	[sflag:s15] =	ssyncadd.s32 $0xFFFFFF80  }
0x80: {  	_ =	swait.ge [sflag:s15], $0x80  }
0x81: {  	[sflag:s15] =	ssyncset.done $0x0  }
0x82: {  	[sflag:s15] =	ssyncadd.s32 $0xFFFFFF80  }
0x83: {  	_ =	swait.ge [sflag:s15], $0x80  }
0x84: {  	[sflag:s15] =	ssyncset.done $0x0  }
0x85: {  	[sflag:s15] =	ssyncadd.s32 $0xFFFFFF80  }
0x86: {  	_ =	swait.ge [sflag:s15], $0x80  }
0x87: {  	[sflag:s15] =	ssyncset.done $0x0  }
0x88: {  	[sflag:s15] =	ssyncadd.s32 $0xFFFFFF80  }
0x89: {  	_ =	swait.ge [sflag:s15], $0x80  }
0x8a: {  	[sflag:s15] =	ssyncset.done $0x0  }
0x8b: {  	[sflag:s15] =	ssyncadd.s32 $0xFFFFFF80  }
0x8c: {  	_ =	swait.ge [sflag:s15], $0x80  }
0x8d: {  	[sflag:s15] =	ssyncset.done $0x0  }
0x8e: {  	[sflag:s15] =	ssyncadd.s32 $0xFFFFFF80  }
0x8f: {  	_ =	swait.ge [sflag:s15], $0x80  }
0x90: {  	[sflag:s15] =	ssyncset.done $0x0  }
0x91: {  	[sflag:s15] =	ssyncadd.s32 $0xFFFFFF80  }
0x92: {  	_ =	swait.ge [sflag:s15], $0x80  }
0x93: {  	[sflag:s15] =	ssyncset.done $0x0  }
0x94: {  	[sflag:s15] =	ssyncadd.s32 $0xFFFFFF80  }
0x95: {  	_ =	swait.ge [sflag:s15], $0x80  }
0x96: {  	[sflag:s15] =	ssyncset.done $0x0  }
0x97: {  	[sflag:s15] =	ssyncadd.s32 $0xFFFFFF80  }
0x98: {  	_ =	swait.ge [sflag:s15], $0x80  }
0x99: {  	[sflag:s15] =	ssyncset.done $0x0  }
0x9a: {  	[sflag:s15] =	ssyncadd.s32 $0xFFFFFF80  }
0x9b: {  	_ =	swait.ge [sflag:s15], $0x80  }
0x9c: {  	[sflag:s15] =	ssyncset.done $0x0  }
0x9d: {  	[sflag:s15] =	ssyncadd.s32 $0xFFFFFF80  }
0x9e: {  	_ =	swait.ge [sflag:s15], $0x80  }
0x9f: {  	[sflag:s15] =	ssyncset.done $0x0  }
0xa0: {  	[sflag:s15] =	ssyncadd.s32 $0xFFFFFF80  }
0xa1: {  	_ =	swait.ge [sflag:s15], $0x80  }
0xa2: {  	[sflag:s15] =	ssyncset.done $0x0  }
0xa3: {  	[sflag:s15] =	ssyncadd.s32 $0xFFFFFF80  }
0xa4: {  	_ =	swait.ge [sflag:s15], $0x80  }
0xa5: {  	[sflag:s15] =	ssyncset.done $0x0  }
0xa6: {  	[sflag:s15] =	ssyncadd.s32 $0xFFFFFF80  }
0xa7: {  	_ =	swait.ge [sflag:s15], $0x80  }
0xa8: {  	[sflag:s15] =	ssyncset.done $0x0  }
0xa9: {  	[sflag:s15] =	ssyncadd.s32 $0xFFFFFF80  }
0xaa: {  	_ =	swait.ge [sflag:s15], $0x80  }
0xab: {  	[sflag:s15] =	ssyncset.done $0x0  }
0xac: {  	[sflag:s15] =	ssyncadd.s32 $0xFFFFFF80  }
0xad: {  	_ =	swait.ge [sflag:s15], $0x80  }
0xae: {  	[sflag:s15] =	ssyncset.done $0x0  }
0xaf: {  	[sflag:s15] =	ssyncadd.s32 $0xFFFFFF80  }
0xb0: {  	_ =	swait.ge [sflag:s15], $0x80  }
0xb1: {  	[sflag:s15] =	ssyncset.done $0x0  }
0xb2: {  	[sflag:s15] =	ssyncadd.s32 $0xFFFFFF80  }
0xb3: {  	_ =	swait.ge [sflag:s15], $0x80  }
0xb4: {  	[sflag:s15] =	ssyncset.done $0x0  }
0xb5: {  	[sflag:s15] =	ssyncadd.s32 $0xFFFFFF80  }
0xb6: {  	_ =	swait.ge [sflag:s15], $0x80  }
0xb7: {  	[sflag:s15] =	ssyncset.done $0x0  }
0xb8: {  	[sflag:s15] =	ssyncadd.s32 $0xFFFFFF80  }
0xb9: {  	_ =	swait.ge [sflag:s15], $0x80  }
0xba: {  	[sflag:s15] =	ssyncset.done $0x0  }
0xbb: {  	[sflag:s15] =	ssyncadd.s32 $0xFFFFFF80  }
0xbc: {  	_ =	swait.ge [sflag:s15], $0x80  }
0xbd: {  	[sflag:s15] =	ssyncset.done $0x0  }
0xbe: {  	[sflag:s15] =	ssyncadd.s32 $0xFFFFFF80  }
0xbf: {  	_ =	swait.ge [sflag:s15], $0x80  }
0xc0: {  	[sflag:s15] =	ssyncset.done $0x0  }
0xc1: {  	s23 =	sshll.u32 s23, $0xC;
	[sflag:s15] =	ssyncadd.s32 $0xFFFFFF80  }
0xc2: {  	s18 =	sadd.s32 $0x1, s18;
	s23 =	sadd.s32 s5, s23;
	_ =	swait.ge [sflag:s15], $0x80  }
0xc3: {  	p0 =	sne.s32 s18, $0x1A;
	s23 =	sshrl.u32 s23, $0x3;
	[sflag:s15] =	ssyncset.done $0x0  }
.Ltmp5:
0xc4: {  	s23 =	sadd.s32 s4, s23;
	[sflag:s15] =	ssyncadd.s32 $0xFFFFFF80;
	(pc) =	sbr.rel @!p0 .LBB2_17-.Ltmp5, $4  }
0xc5: {  	[hbm4b:s23+s2] =	stream.linear.scatter [tilespmem:s16], [sflag:$0x3], $0x1000, $0x38;
	[tilespmem:$0x7400] =	vst v63  }
0xc6: {  	_ =	swait.ge [sflag:s11], $0x1000  }
0xc7: {  	s22 =	sadd.s32 $0x200, s22;
	s19 =	sadd.s32 $0x200, s19;
	[sflag:s11] =	ssyncset.done $0x0  }
0xc8: {  	s21 =	sadd.s32 $0x200, s21;
	s20 =	sadd.s32 $0x200, s20;
	[sflag:s11] =	ssyncadd.s32 $0xFFFFF000  }
.LBB2_6:
0xc9: {  	v18 =	vmov s19  }
0xca: {  	v19 =	vor.u32 s22, v0  }
0xcb: {  	v20 =	vmulhi.u32 $0x4EC4EC4F, v19;
	_ =	sdelay $0x1  }
0xcc: {  	s23 =	simm.s32 $0x0;
	v20 =	vshrl.u32 v20, $0x3  }
0xcd: {  	v20 =	vmul.u32 $0x1A, v20;
	v21 =	vld.idx.msk [tilespmem:v18+s23+$0x0 ss:$0x1], $0xffff;
	_ =	sdelay $0x1  }
0xce: {  	v19 =	vsub.s32 v19, v20  }
0xcf: {  	v19 =	vmul.u32 $0x186A00, v19;
	_ =	sdelay $0x1  }
0xd0: {  	v19 =	vadd.s32 v19, v21  }
0xd1: {  	v20 =	vperm.xlane v19, v1  }
0xd2: {  	v21 =	vperm.xlane v19, v3  }
0xd3: {  	s24 =	simm.s32 $0x4480;
	v22 =	vperm.xlane v19, v4;
	v20 =	vadd.s32 v2, v20  }
0xd4: {  	v23 =	vperm.xlane v19, v5;
	v21 =	vadd.s32 v2, v21;
	[tilespmem:s24+$0xFFFFFF80] =	vst v20  }
0xd5: {  	v22 =	vadd.s32 v2, v22;
	v20 =	vperm.xlane v19, v6;
	[tilespmem:s24+$0xFFFFFF90] =	vst v21  }
0xd6: {  	v21 =	vadd.s32 v2, v23;
	v23 =	vperm.xlane v19, v7;
	[tilespmem:s24+$0xFFFFFFA0] =	vst v22  }
0xd7: {  	v22 =	vperm.xlane v19, v8;
	[tilespmem:s24+$0xFFFFFFB0] =	vst v21;
	v20 =	vadd.s32 v2, v20  }
0xd8: {  	v21 =	vperm.xlane v19, v9;
	v23 =	vadd.s32 v2, v23;
	[tilespmem:s24+$0xFFFFFFC0] =	vst v20  }
0xd9: {  	v22 =	vadd.s32 v2, v22;
	v20 =	vperm.xlane v19, v10;
	[tilespmem:s24+$0xFFFFFFD0] =	vst v23  }
0xda: {  	v23 =	vperm.xlane v19, v11;
	v21 =	vadd.s32 v2, v21;
	[tilespmem:s24+$0xFFFFFFE0] =	vst v22  }
0xdb: {  	v22 =	vperm.xlane v19, v12;
	[tilespmem:s24+$0xFFFFFFF0] =	vst v21;
	v20 =	vadd.s32 v2, v20  }
0xdc: {  	v21 =	vadd.s32 v2, v23;
	v23 =	vperm.xlane v19, v13;
	[tilespmem:s24+$0x0] =	vst v20  }
0xdd: {  	v20 =	vadd.s32 v2, v22;
	v22 =	vperm.xlane v19, v14;
	[tilespmem:s24+$0x10] =	vst v21  }
0xde: {  	v21 =	vperm.xlane v19, v15;
	v23 =	vadd.s32 v2, v23;
	[tilespmem:s24+$0x20] =	vst v20  }
0xdf: {  	v20 =	vperm.xlane v19, v16;
	v19 =	vperm.xlane v19, v17;
	v22 =	vadd.s32 v2, v22;
	[tilespmem:s24+$0x30] =	vst v23  }
0xe0: {  	s25 =	sadd.s32 $0x10, s22;
	v23 =	vadd.s32 v2, v21;
	[tilespmem:s24+$0x40] =	vst v22  }
0xe1: {  	s26 =	simm.s32 $0x40;
	s28 =	simm.s32 $0x80;
	s23 =	sshllo.u32 s18, $0x1;
	v21 =	vadd.s32 v2, v20;
	v20 =	vadd.s32 v2, v19;
	v19 =	vor.u32 s25, v0;
	[tilespmem:s24+$0x50] =	vst v23  }
.LBB2_7:
0xe2: {  	p0 =	sne.s32 s28, $0x3C0;
	v22 =	vmulhi.u32 $0x4EC4EC4F, v19;
	[tilespmem:s24+$0x60] =	vst v21  }
0xe3: {  	s29 =	sshra.s32 s26, $0x2;
	s26 =	smov.u32 s28;
	[tilespmem:s24+$0x70] =	vst v20  }
0xe4: {  	v20 =	vld.idx.msk [tilespmem:v18+s29+$0x0 ss:$0x1], $0xffff;
	v21 =	vshrl.u32 v22, $0x3  }
0xe5: {  	v21 =	vmul.u32 $0x1A, v21;
	_ =	sdelay $0x1  }
0xe6: {  	v19 =	vsub.s32 v19, v21  }
0xe7: {  	v19 =	vmul.u32 $0x186A00, v19;
	_ =	sdelay $0x1  }
0xe8: {  	v19 =	vadd.s32 v19, v20  }
0xe9: {  	v20 =	vperm.xlane v19, v1;
	v21 =	vperm.xlane v19, v3  }
0xea: {  	v22 =	vperm.xlane v19, v4;
	v23 =	vperm.xlane v19, v5  }
0xeb: {  	s24 =	sadd.s32 $0x100, s24;
	v24 =	vperm.xlane v19, v6;
	v20 =	vadd.s32 v2, v20;
	v21 =	vadd.s32 v2, v21  }
0xec: {  	[tilespmem:s24+$0xFFFFFF80] =	vst v20;
	v20 =	vadd.s32 v2, v22;
	v22 =	vadd.s32 v2, v23;
	v23 =	vperm.xlane v19, v7  }
0xed: {  	v25 =	vperm.xlane v19, v9;
	[tilespmem:s24+$0xFFFFFF90] =	vst v21;
	v21 =	vadd.s32 v2, v24;
	v24 =	vperm.xlane v19, v8  }
0xee: {  	v26 =	vperm.xlane v19, v11;
	[tilespmem:s24+$0xFFFFFFA0] =	vst v20;
	v20 =	vadd.s32 v2, v23;
	v23 =	vperm.xlane v19, v10  }
0xef: {  	[tilespmem:s24+$0xFFFFFFB0] =	vst v22;
	v22 =	vadd.s32 v2, v24;
	v24 =	vadd.s32 v2, v25;
	v25 =	vperm.xlane v19, v12  }
0xf0: {  	[tilespmem:s24+$0xFFFFFFC0] =	vst v21;
	v21 =	vadd.s32 v2, v23;
	v23 =	vadd.s32 v2, v26;
	v26 =	vperm.xlane v19, v13  }
0xf1: {  	v27 =	vperm.xlane v19, v15;
	[tilespmem:s24+$0xFFFFFFD0] =	vst v20;
	v25 =	vadd.s32 v2, v25;
	v20 =	vperm.xlane v19, v14  }
0xf2: {  	[tilespmem:s24+$0xFFFFFFE0] =	vst v22;
	v22 =	vadd.s32 v2, v26;
	v26 =	vperm.xlane v19, v16;
	v19 =	vperm.xlane v19, v17  }
0xf3: {  	v27 =	vadd.s32 v2, v27;
	[tilespmem:s24+$0xFFFFFFF0] =	vst v24;
	v24 =	vadd.s32 v2, v20  }
0xf4: {  	[tilespmem:s24+$0x0] =	vst v21;
	v21 =	vadd.s32 v2, v26;
	v20 =	vadd.s32 v2, v19  }
.Ltmp6:
0xf5: {  	[tilespmem:s24+$0x10] =	vst v23;
	(pc) =	sbr.rel @p0 .LBB2_7-.Ltmp6, $4  }
0xf6: {  	[tilespmem:s24+$0x20] =	vst v25  }
0xf7: {  	[tilespmem:s24+$0x30] =	vst v22  }
0xf8: {  	s25 =	sadd.s32 $0x10, s25;
	[tilespmem:s24+$0x40] =	vst v24  }
0xf9: {  	s28 =	sadd.s32 $0x40, s28;
	v19 =	vor.u32 s25, v0;
	[tilespmem:s24+$0x50] =	vst v27  }
0xfa: {  	_ = 	snop  }
0xfb: {  	v22 =	vmulhi.u32 $0x4EC4EC4F, v19  }
0xfc: {  	[tilespmem:s24+$0x60] =	vst v21  }
0xfd: {  	s25 =	sshra.s32 s26, $0x2;
	[tilespmem:s24+$0x70] =	vst v20;
	v50 =	vshrl.u32 v22, $0x3  }
0xfe: {  	v18 =	vld.idx.msk [tilespmem:v18+s25+$0x0 ss:$0x1], $0xffff;
	v20 =	vmul.u32 $0x1A, v50;
	_ =	sdelay $0x1  }
0xff: {  	v19 =	vsub.s32 v19, v20  }
0x100: {  	v19 =	vmul.u32 $0x186A00, v19;
	_ =	sdelay $0x1  }
0x101: {  	v18 =	vadd.s32 v19, v18  }
0x102: {  	v19 =	vperm.xlane v18, v1  }
0x103: {  	v51 =	vperm.xlane v18, v3  }
0x104: {  	s31 =	sadd.s32 $0x100, s24;
	v52 =	vperm.xlane v18, v4;
	v19 =	vadd.s32 v2, v19  }
0x105: {  	v53 =	vperm.xlane v18, v5;
	v20 =	vadd.s32 v2, v51;
	[tilespmem:s31+$0xFFFFFF80] =	vst v19  }
0x106: {  	v55 =	vperm.xlane v18, v7;
	v21 =	vadd.s32 v2, v52;
	[tilespmem:s31+$0xFFFFFF90] =	vst v20  }
0x107: {  	v58 =	vperm.xlane v18, v11;
	v54 =	vadd.s32 v2, v53;
	[tilespmem:s31+$0xFFFFFFA0] =	vst v21  }
0x108: {  	v56 =	vperm.xlane v18, v8;
	v22 =	vadd.s32 v2, v55;
	[tilespmem:s31+$0xFFFFFFB0] =	vst v54  }
0x109: {  	v60 =	vadd.s32 v2, v58;
	v19 =	vperm.xlane v18, v6;
	[tilespmem:s31+$0xFFFFFFD0] =	vst v22  }
0x10a: {  	v57 =	vperm.xlane v18, v9;
	v21 =	vadd.s32 v2, v56;
	[tilespmem:s31+$0x10] =	vst v60  }
0x10b: {  	v61 =	vperm.xlane v18, v13;
	[tilespmem:s31+$0xFFFFFFE0] =	vst v21;
	v19 =	vadd.s32 v2, v19  }
0x10c: {  	v20 =	vadd.s32 v2, v57;
	[tilespmem:s31+$0xFFFFFFC0] =	vst v19;
	v19 =	vperm.xlane v18, v10  }
0x10d: {  	v59 =	vperm.xlane v18, v12;
	v22 =	vadd.s32 v2, v61;
	[tilespmem:s31+$0xFFFFFFF0] =	vst v20  }
0x10e: {  	v62 =	vperm.xlane v18, v14;
	[tilespmem:s31+$0x30] =	vst v22;
	v19 =	vadd.s32 v2, v19  }
0x10f: {  	v63 =	vperm.xlane v18, v15;
	[tilespmem:s31+$0x0] =	vst v19;
	v19 =	vadd.s32 v2, v59  }
0x110: {  	v21 =	vadd.s32 v2, v62;
	[tilespmem:s31+$0x20] =	vst v19;
	v19 =	vperm.xlane v18, v16  }
0x111: {  	v20 =	vadd.s32 v2, v63;
	[tilespmem:s31+$0x40] =	vst v21;
	v18 =	vperm.xlane v18, v17  }
0x112: {  	[tilespmem:s31+$0x50] =	vst v20;
	v19 =	vadd.s32 v2, v19  }
0x113: {  	v18 =	vadd.s32 v2, v18;
	[tilespmem:s31+$0x60] =	vst v19  }
0x114: {  	s24 =	simm.s32 $0x200;
	s26 =	simm.s32 $0x4400;
	s25 =	simm.s32 $0x6400;
	[tilespmem:s31+$0x70] =	vst v18  }
.LBB2_9:
0x115: {  	[tilespmem:s25], [sflag:$0x2] =	stream.indirect.gather [hbm4b:s3+s12], $0x1, s26, s12, $0xb8;
	[tilespmem:$0x7400] =	vst v63  }
0x116: {  	s25 =	smov.u32 s24;
	p0 =	sne.s32 s24, $0x3E00  }
.Ltmp7:
0x117: {  	s24 =	sadd.s32 $0x200, s24;
	(pc) =	sbr.rel @p0 .LBB2_9-.Ltmp7, $3  }
0x118: {  	_ =	sdelay $0x1  }
0x119: {  	s26 =	sshra.s32 s25, $0x2  }
0x11a: {  	s25 =	sadd.s32 $0x6400, s26;
	s26 =	sadd.s32 $0x4400, s26  }
0x11b: {  	[tilespmem:s25], [sflag:$0x2] =	stream.indirect.gather [hbm4b:s3+s12], $0x1, s26, s12, $0xb8;
	[tilespmem:$0x7400] =	vst v63  }
0x11c: {  	_ =	swait.ge [sflag:s13], $0x80  }
0x11d: {  	[sflag:s13] =	ssyncset.done $0x0  }
0x11e: {  	[sflag:s13] =	ssyncadd.s32 $0xFFFFFF80  }
0x11f: {  	_ =	swait.ge [sflag:s13], $0x80  }
0x120: {  	[sflag:s13] =	ssyncset.done $0x0  }
0x121: {  	[sflag:s13] =	ssyncadd.s32 $0xFFFFFF80  }
0x122: {  	_ =	swait.ge [sflag:s13], $0x80  }
0x123: {  	[sflag:s13] =	ssyncset.done $0x0  }
0x124: {  	[sflag:s13] =	ssyncadd.s32 $0xFFFFFF80  }
0x125: {  	_ =	swait.ge [sflag:s13], $0x80  }
0x126: {  	[sflag:s13] =	ssyncset.done $0x0  }
0x127: {  	[sflag:s13] =	ssyncadd.s32 $0xFFFFFF80  }
0x128: {  	_ =	swait.ge [sflag:s13], $0x80  }
0x129: {  	[sflag:s13] =	ssyncset.done $0x0  }
0x12a: {  	[sflag:s13] =	ssyncadd.s32 $0xFFFFFF80  }
0x12b: {  	_ =	swait.ge [sflag:s13], $0x80  }
0x12c: {  	[sflag:s13] =	ssyncset.done $0x0  }
0x12d: {  	[sflag:s13] =	ssyncadd.s32 $0xFFFFFF80  }
0x12e: {  	_ =	swait.ge [sflag:s13], $0x80  }
0x12f: {  	[sflag:s13] =	ssyncset.done $0x0  }
0x130: {  	[sflag:s13] =	ssyncadd.s32 $0xFFFFFF80  }
0x131: {  	_ =	swait.ge [sflag:s13], $0x80  }
0x132: {  	[sflag:s13] =	ssyncset.done $0x0  }
0x133: {  	[sflag:s13] =	ssyncadd.s32 $0xFFFFFF80  }
0x134: {  	_ =	swait.ge [sflag:s13], $0x80  }
0x135: {  	[sflag:s13] =	ssyncset.done $0x0  }
0x136: {  	[sflag:s13] =	ssyncadd.s32 $0xFFFFFF80  }
0x137: {  	_ =	swait.ge [sflag:s13], $0x80  }
0x138: {  	[sflag:s13] =	ssyncset.done $0x0  }
0x139: {  	[sflag:s13] =	ssyncadd.s32 $0xFFFFFF80  }
0x13a: {  	_ =	swait.ge [sflag:s13], $0x80  }
0x13b: {  	[sflag:s13] =	ssyncset.done $0x0  }
0x13c: {  	[sflag:s13] =	ssyncadd.s32 $0xFFFFFF80  }
0x13d: {  	_ =	swait.ge [sflag:s13], $0x80  }
0x13e: {  	[sflag:s13] =	ssyncset.done $0x0  }
0x13f: {  	[sflag:s13] =	ssyncadd.s32 $0xFFFFFF80  }
0x140: {  	_ =	swait.ge [sflag:s13], $0x80  }
0x141: {  	[sflag:s13] =	ssyncset.done $0x0  }
0x142: {  	[sflag:s13] =	ssyncadd.s32 $0xFFFFFF80  }
0x143: {  	_ =	swait.ge [sflag:s13], $0x80  }
0x144: {  	[sflag:s13] =	ssyncset.done $0x0  }
0x145: {  	[sflag:s13] =	ssyncadd.s32 $0xFFFFFF80  }
0x146: {  	_ =	swait.ge [sflag:s13], $0x80  }
0x147: {  	[sflag:s13] =	ssyncset.done $0x0  }
0x148: {  	[sflag:s13] =	ssyncadd.s32 $0xFFFFFF80  }
0x149: {  	_ =	swait.ge [sflag:s13], $0x80  }
0x14a: {  	[sflag:s13] =	ssyncset.done $0x0  }
0x14b: {  	[sflag:s13] =	ssyncadd.s32 $0xFFFFFF80  }
0x14c: {  	_ =	swait.ge [sflag:s13], $0x80  }
0x14d: {  	[sflag:s13] =	ssyncset.done $0x0  }
0x14e: {  	[sflag:s13] =	ssyncadd.s32 $0xFFFFFF80  }
0x14f: {  	_ =	swait.ge [sflag:s13], $0x80  }
0x150: {  	[sflag:s13] =	ssyncset.done $0x0  }
0x151: {  	[sflag:s13] =	ssyncadd.s32 $0xFFFFFF80  }
0x152: {  	_ =	swait.ge [sflag:s13], $0x80  }
0x153: {  	[sflag:s13] =	ssyncset.done $0x0  }
0x154: {  	[sflag:s13] =	ssyncadd.s32 $0xFFFFFF80  }
0x155: {  	_ =	swait.ge [sflag:s13], $0x80  }
0x156: {  	[sflag:s13] =	ssyncset.done $0x0  }
0x157: {  	[sflag:s13] =	ssyncadd.s32 $0xFFFFFF80  }
0x158: {  	_ =	swait.ge [sflag:s13], $0x80  }
0x159: {  	[sflag:s13] =	ssyncset.done $0x0  }
0x15a: {  	[sflag:s13] =	ssyncadd.s32 $0xFFFFFF80  }
0x15b: {  	_ =	swait.ge [sflag:s13], $0x80  }
0x15c: {  	[sflag:s13] =	ssyncset.done $0x0  }
0x15d: {  	[sflag:s13] =	ssyncadd.s32 $0xFFFFFF80  }
0x15e: {  	_ =	swait.ge [sflag:s13], $0x80  }
0x15f: {  	[sflag:s13] =	ssyncset.done $0x0  }
0x160: {  	[sflag:s13] =	ssyncadd.s32 $0xFFFFFF80  }
0x161: {  	_ =	swait.ge [sflag:s13], $0x80  }
0x162: {  	[sflag:s13] =	ssyncset.done $0x0  }
0x163: {  	[sflag:s13] =	ssyncadd.s32 $0xFFFFFF80  }
0x164: {  	_ =	swait.ge [sflag:s13], $0x80  }
0x165: {  	[sflag:s13] =	ssyncset.done $0x0  }
0x166: {  	[sflag:s13] =	ssyncadd.s32 $0xFFFFFF80  }
0x167: {  	_ =	swait.ge [sflag:s13], $0x80  }
0x168: {  	[sflag:s13] =	ssyncset.done $0x0  }
0x169: {  	[sflag:s13] =	ssyncadd.s32 $0xFFFFFF80  }
0x16a: {  	_ =	swait.ge [sflag:s13], $0x80  }
0x16b: {  	[sflag:s13] =	ssyncset.done $0x0  }
0x16c: {  	[sflag:s13] =	ssyncadd.s32 $0xFFFFFF80  }
0x16d: {  	_ =	swait.ge [sflag:s13], $0x80  }
0x16e: {  	[sflag:s13] =	ssyncset.done $0x0  }
0x16f: {  	[sflag:s13] =	ssyncadd.s32 $0xFFFFFF80  }
0x170: {  	_ =	swait.ge [sflag:s13], $0x80  }
0x171: {  	[sflag:s13] =	ssyncset.done $0x0  }
0x172: {  	[sflag:s13] =	ssyncadd.s32 $0xFFFFFF80  }
0x173: {  	_ =	swait.ge [sflag:s13], $0x80  }
0x174: {  	[sflag:s13] =	ssyncset.done $0x0  }
0x175: {  	[sflag:s13] =	ssyncadd.s32 $0xFFFFFF80  }
0x176: {  	_ =	swait.ge [sflag:s13], $0x80  }
0x177: {  	[sflag:s13] =	ssyncset.done $0x0  }
0x178: {  	s24 =	sshll.u32 s18, $0xD;
	[sflag:s13] =	ssyncadd.s32 $0xFFFFFF80  }
0x179: {  	s31 =	simm.s32 $0x0;
	s24 =	sadd.s32 s5, s24;
	_ =	swait.ge [sflag:s13], $0x80  }
0x17a: {  	p0 =	seq.s32 s18, $0x19;
	s24 =	sshrl.u32 s24, $0x3;
	[sflag:s13] =	ssyncset.done $0x0  }
.Ltmp8:
0x17b: {  	s24 =	sadd.s32 s4, s24;
	[sflag:s13] =	ssyncadd.s32 $0xFFFFFF80;
	(pc) =	sbr.rel @p0 .LBB2_16-.Ltmp8, $4  }
0x17c: {  	[hbm4b:s24+s31] =	stream.linear.scatter [tilespmem:s14], [sflag:$0x3], $0x1000, $0x38;
	[tilespmem:$0x7400] =	vst v63  }
0x17d: {  	_ =	swait.ge [sflag:s11], $0x1000  }
0x17e: {  	[sflag:s11] =	ssyncset.done $0x0  }
0x17f: {  	s24 =	simm.s32 $0x3480;
	[sflag:s11] =	ssyncadd.s32 $0xFFFFF000  }
0x180: {  	v18 =	vor.u32 s21, v0  }
0x181: {  	v19 =	vmulhi.u32 $0x4EC4EC4F, v18;
	_ =	sdelay $0x1  }
0x182: {  	s25 =	sadd.s32 $0x0, s20;
	v19 =	vshrl.u32 v19, $0x3  }
0x183: {  	v20 =	vld [tilespmem:s25+$0x0];
	v19 =	vmul.u32 $0x1A, v19;
	_ =	sdelay $0x1  }
0x184: {  	v18 =	vsub.s32 v18, v19  }
0x185: {  	v18 =	vmul.u32 $0x186A00, v18;
	_ =	sdelay $0x1  }
0x186: {  	v18 =	vadd.s32 v18, v20  }
0x187: {  	v19 =	vperm.xlane v18, v1  }
0x188: {  	v20 =	vperm.xlane v18, v3  }
0x189: {  	v21 =	vperm.xlane v18, v4;
	v19 =	vadd.s32 v2, v19  }
0x18a: {  	v22 =	vperm.xlane v18, v5;
	v20 =	vadd.s32 v2, v20;
	[tilespmem:s24+$0xFFFFFF80] =	vst v19  }
0x18b: {  	v21 =	vadd.s32 v2, v21;
	v19 =	vperm.xlane v18, v6;
	[tilespmem:s24+$0xFFFFFF90] =	vst v20  }
0x18c: {  	v20 =	vadd.s32 v2, v22;
	v22 =	vperm.xlane v18, v7;
	[tilespmem:s24+$0xFFFFFFA0] =	vst v21  }
0x18d: {  	v21 =	vperm.xlane v18, v8;
	[tilespmem:s24+$0xFFFFFFB0] =	vst v20;
	v19 =	vadd.s32 v2, v19  }
0x18e: {  	v20 =	vperm.xlane v18, v9;
	v22 =	vadd.s32 v2, v22;
	[tilespmem:s24+$0xFFFFFFC0] =	vst v19  }
0x18f: {  	v21 =	vadd.s32 v2, v21;
	v19 =	vperm.xlane v18, v10;
	[tilespmem:s24+$0xFFFFFFD0] =	vst v22  }
0x190: {  	v22 =	vperm.xlane v18, v11;
	v20 =	vadd.s32 v2, v20;
	[tilespmem:s24+$0xFFFFFFE0] =	vst v21  }
0x191: {  	v21 =	vperm.xlane v18, v12;
	[tilespmem:s24+$0xFFFFFFF0] =	vst v20;
	v19 =	vadd.s32 v2, v19  }
0x192: {  	v20 =	vadd.s32 v2, v22;
	v22 =	vperm.xlane v18, v13;
	[tilespmem:s24+$0x0] =	vst v19  }
0x193: {  	v23 =	vperm.xlane v18, v15;
	v19 =	vadd.s32 v2, v21;
	v21 =	vperm.xlane v18, v14;
	[tilespmem:s24+$0x10] =	vst v20  }
0x194: {  	v24 =	vperm.xlane v18, v16;
	v18 =	vperm.xlane v18, v17;
	v22 =	vadd.s32 v2, v22;
	[tilespmem:s24+$0x20] =	vst v19  }
0x195: {  	s26 =	sadd.s32 $0x10, s21;
	v20 =	vadd.s32 v2, v23;
	v25 =	vadd.s32 v2, v21;
	[tilespmem:s24+$0x30] =	vst v22  }
0x196: {  	s28 =	simm.s32 $0x80;
	s25 =	simm.s32 $0x40;
	v19 =	vor.u32 s26, v0;
	v21 =	vadd.s32 v2, v24;
	v18 =	vadd.s32 v2, v18;
	[tilespmem:s24+$0x40] =	vst v25  }
.LBB2_12:
0x197: {  	p0 =	sne.s32 s28, $0x3C0;
	v22 =	vmulhi.u32 $0x4EC4EC4F, v19;
	[tilespmem:s24+$0x50] =	vst v20  }
0x198: {  	s29 =	sshra.s32 s25, $0x2;
	s25 =	smov.u32 s28;
	[tilespmem:s24+$0x60] =	vst v21  }
0x199: {  	s29 =	sadd.s32 s29, s20;
	v20 =	vshrl.u32 v22, $0x3;
	[tilespmem:s24+$0x70] =	vst v18  }
0x19a: {  	v18 =	vld [tilespmem:s29+$0x0];
	v20 =	vmul.u32 $0x1A, v20;
	_ =	sdelay $0x1  }
0x19b: {  	v19 =	vsub.s32 v19, v20  }
0x19c: {  	v19 =	vmul.u32 $0x186A00, v19;
	_ =	sdelay $0x1  }
0x19d: {  	v18 =	vadd.s32 v19, v18  }
0x19e: {  	v19 =	vperm.xlane v18, v1;
	v20 =	vperm.xlane v18, v3  }
0x19f: {  	v21 =	vperm.xlane v18, v4;
	v22 =	vperm.xlane v18, v5  }
0x1a0: {  	s24 =	sadd.s32 $0x100, s24;
	v23 =	vperm.xlane v18, v6;
	v19 =	vadd.s32 v2, v19;
	v20 =	vadd.s32 v2, v20  }
0x1a1: {  	[tilespmem:s24+$0xFFFFFF80] =	vst v19;
	v19 =	vadd.s32 v2, v21;
	v21 =	vadd.s32 v2, v22;
	v22 =	vperm.xlane v18, v7  }
0x1a2: {  	v24 =	vperm.xlane v18, v9;
	[tilespmem:s24+$0xFFFFFF90] =	vst v20;
	v20 =	vadd.s32 v2, v23;
	v23 =	vperm.xlane v18, v8  }
0x1a3: {  	v25 =	vperm.xlane v18, v11;
	[tilespmem:s24+$0xFFFFFFA0] =	vst v19;
	v19 =	vadd.s32 v2, v22;
	v22 =	vperm.xlane v18, v10  }
0x1a4: {  	[tilespmem:s24+$0xFFFFFFB0] =	vst v21;
	v21 =	vadd.s32 v2, v23;
	v23 =	vadd.s32 v2, v24;
	v24 =	vperm.xlane v18, v12  }
0x1a5: {  	v25 =	vadd.s32 v2, v25;
	[tilespmem:s24+$0xFFFFFFC0] =	vst v20;
	v22 =	vadd.s32 v2, v22;
	v20 =	vperm.xlane v18, v13  }
0x1a6: {  	v26 =	vperm.xlane v18, v15;
	[tilespmem:s24+$0xFFFFFFD0] =	vst v19;
	v19 =	vadd.s32 v2, v24;
	v24 =	vperm.xlane v18, v14  }
0x1a7: {  	[tilespmem:s24+$0xFFFFFFE0] =	vst v21;
	v27 =	vadd.s32 v2, v20;
	v21 =	vperm.xlane v18, v16;
	v18 =	vperm.xlane v18, v17  }
0x1a8: {  	v20 =	vadd.s32 v2, v26;
	[tilespmem:s24+$0xFFFFFFF0] =	vst v23;
	v23 =	vadd.s32 v2, v24  }
.Ltmp9:
0x1a9: {  	[tilespmem:s24+$0x0] =	vst v22;
	v21 =	vadd.s32 v2, v21;
	v18 =	vadd.s32 v2, v18;
	(pc) =	sbr.rel @p0 .LBB2_12-.Ltmp9, $4  }
0x1aa: {  	[tilespmem:s24+$0x10] =	vst v25  }
0x1ab: {  	[tilespmem:s24+$0x20] =	vst v19  }
0x1ac: {  	s26 =	sadd.s32 $0x10, s26;
	[tilespmem:s24+$0x30] =	vst v27  }
0x1ad: {  	s28 =	sadd.s32 $0x40, s28;
	v19 =	vor.u32 s26, v0;
	[tilespmem:s24+$0x40] =	vst v23  }
0x1ae: {  	v22 =	vmulhi.u32 $0x4EC4EC4F, v19;
	[tilespmem:s24+$0x50] =	vst v20  }
0x1af: {  	s25 =	sshra.s32 s25, $0x2;
	[tilespmem:s24+$0x60] =	vst v21  }
0x1b0: {  	[tilespmem:s24+$0x70] =	vst v18;
	s25 =	sadd.s32 s25, s20;
	v50 =	vshrl.u32 v22, $0x3  }
0x1b1: {  	v18 =	vld [tilespmem:s25+$0x0];
	v20 =	vmul.u32 $0x1A, v50;
	_ =	sdelay $0x1  }
0x1b2: {  	v19 =	vsub.s32 v19, v20  }
0x1b3: {  	v19 =	vmul.u32 $0x186A00, v19;
	_ =	sdelay $0x1  }
0x1b4: {  	v18 =	vadd.s32 v19, v18  }
0x1b5: {  	v19 =	vperm.xlane v18, v1  }
0x1b6: {  	v51 =	vperm.xlane v18, v3  }
0x1b7: {  	s31 =	sadd.s32 $0x100, s24;
	v52 =	vperm.xlane v18, v4;
	v19 =	vadd.s32 v2, v19  }
0x1b8: {  	v53 =	vperm.xlane v18, v5;
	v20 =	vadd.s32 v2, v51;
	[tilespmem:s31+$0xFFFFFF80] =	vst v19  }
0x1b9: {  	v55 =	vperm.xlane v18, v7;
	v21 =	vadd.s32 v2, v52;
	[tilespmem:s31+$0xFFFFFF90] =	vst v20  }
0x1ba: {  	v58 =	vperm.xlane v18, v11;
	v54 =	vadd.s32 v2, v53;
	[tilespmem:s31+$0xFFFFFFA0] =	vst v21  }
0x1bb: {  	v56 =	vperm.xlane v18, v8;
	v22 =	vadd.s32 v2, v55;
	[tilespmem:s31+$0xFFFFFFB0] =	vst v54  }
0x1bc: {  	v60 =	vadd.s32 v2, v58;
	v19 =	vperm.xlane v18, v6;
	[tilespmem:s31+$0xFFFFFFD0] =	vst v22  }
0x1bd: {  	v57 =	vperm.xlane v18, v9;
	v21 =	vadd.s32 v2, v56;
	[tilespmem:s31+$0x10] =	vst v60  }
0x1be: {  	v61 =	vperm.xlane v18, v13;
	[tilespmem:s31+$0xFFFFFFE0] =	vst v21;
	v19 =	vadd.s32 v2, v19  }
0x1bf: {  	v20 =	vadd.s32 v2, v57;
	[tilespmem:s31+$0xFFFFFFC0] =	vst v19;
	v19 =	vperm.xlane v18, v10  }
0x1c0: {  	v59 =	vperm.xlane v18, v12;
	v22 =	vadd.s32 v2, v61;
	[tilespmem:s31+$0xFFFFFFF0] =	vst v20  }
0x1c1: {  	v62 =	vperm.xlane v18, v14;
	[tilespmem:s31+$0x30] =	vst v22;
	v19 =	vadd.s32 v2, v19  }
0x1c2: {  	v63 =	vperm.xlane v18, v15;
	[tilespmem:s31+$0x0] =	vst v19;
	v19 =	vadd.s32 v2, v59  }
0x1c3: {  	v21 =	vadd.s32 v2, v62;
	[tilespmem:s31+$0x20] =	vst v19;
	v19 =	vperm.xlane v18, v16  }
0x1c4: {  	v20 =	vadd.s32 v2, v63;
	[tilespmem:s31+$0x40] =	vst v21;
	v18 =	vperm.xlane v18, v17  }
0x1c5: {  	[tilespmem:s31+$0x50] =	vst v20;
	v19 =	vadd.s32 v2, v19  }
0x1c6: {  	v18 =	vadd.s32 v2, v18;
	[tilespmem:s31+$0x60] =	vst v19  }
0x1c7: {  	s24 =	simm.s32 $0x200;
	s26 =	simm.s32 $0x3400;
	s25 =	simm.s32 $0x5400;
	[tilespmem:s31+$0x70] =	vst v18  }
.LBB2_14:
0x1c8: {  	[tilespmem:s25], [sflag:$0x1] =	stream.indirect.gather [hbm4b:s3+s12], $0x1, s26, s12, $0xb8;
	[tilespmem:$0x7400] =	vst v63  }
0x1c9: {  	s25 =	smov.u32 s24;
	p0 =	sne.s32 s24, $0x3E00  }
.Ltmp10:
0x1ca: {  	s24 =	sadd.s32 $0x200, s24;
	(pc) =	sbr.rel @p0 .LBB2_14-.Ltmp10, $3  }
0x1cb: {  	_ =	sdelay $0x1  }
0x1cc: {  	s26 =	sshra.s32 s25, $0x2  }
0x1cd: {  	s25 =	sadd.s32 $0x5400, s26;
	s26 =	sadd.s32 $0x3400, s26  }
.Ltmp11:
0x1ce: {  	(pc) =	sbr.rel .LBB2_16-.Ltmp11, $2  }
0x1cf: {  	_ =	sdelay $0x2  }
0x1d0: {  	[tilespmem:s25], [sflag:$0x1] =	stream.indirect.gather [hbm4b:s3+s12], $0x1, s26, s12, $0xb8;
	[tilespmem:$0x7400] =	vst v63  }
.LBB2_18:
0x1d1: {  	_ =	sfence.sel $0x180000  }
0x1d2: {  	[bflag:$0x0] =	sbarrier.arrive $0xFFFF  }
0x1d3: {  	p0 =	sne.s32 s0, $0x0;
	_ =	strace $0x90000047  }
0x1d4: {  	s0 =	sadd.s32 @!p0 $0x100000, s1;
	[bflag:$0x2] =	sbarrier.arrive $0xFFFF  }
0x1d5: {  	[sflag:s0] =	ssyncadd.tile.s32 @!p0 $0x1;
	_ =	shalt  }
.Lfunc_end2:
_tile_overlayer_lowered:
.L_overlay_start_2:
0x1d6: {  	(tag) =	ssettag $0x2  }
0x1d7: {  	s0 =	rddreg [dreg:$0x0];
	s2 =	stileid.u32  }
0x1d8: {  	s1 =	rddreg [dreg:$0x1];
	p0 =	sne.s32 s2, $0x0  }
0x1d9: {  	s3 =	rddreg [dreg:$0x2];
	[bflag:$0x3] =	sbarrier.arrive $0xFFFF;
	s2 =	simm.s32 @!p0 $0x1C03  }
0x1da: {  	[timem:s3], [sflag:s2] =	dma.local @!p0 [hbm:s0], s1  }
0x1db: {  	s0 =	simm.s32 @!p0 $0x3  }
0x1dc: {  	_ =	swait.ge @!p0 [sflag:s0], s1  }
0x1dd: {  	s1 =	ssub.s32 @!p0 $0x0, s1;
	[sflag:s0] =	ssyncset.done @!p0 $0x0  }
0x1de: {  	[sflag:s0] =	ssyncadd.s32 @!p0 s1  }
0x1df: {  	[bflag:$0x3] =	sbarrier.arrive $0xFFFF  }
0x1e0: {  	_ =	shalt  }

</sc_bundles>
